<compile_context>
chip_gen: v7x
topology: tpu7x:2x2x1
jax: 0.10.2.dev20260603
libtpu: 0.0.44.dev20260713+nightly
codegen_flags: <defaults>
</compile_context>

<pallas_src>
import functools

import jax
import jax.numpy as jnp
from jax import lax
from jax.experimental import pallas as pl
from jax.experimental.pallas import tpu as pltpu
from jax.experimental.pallas import tpu_sc as plsc

NFEAT = 56
DIM = 128
CBITS = 7
NCHUNK = 8
CROWS = 1 << CBITS
TROWS = NCHUNK * CROWS
NLANE = 16
NCORE = 2
NSUBCORE = 16
XBLK = 4096


def _table_body(tab_ref, t_ref):
    r = lax.broadcasted_iota(jnp.int32, (TROWS, NFEAT), 0)
    i = lax.broadcasted_iota(jnp.int32, (TROWS, NFEAT), 1)
    c = r // CROWS
    b = r % CROWS
    j = i - c * CBITS
    inch = (j >= 0) & (j < CBITS)
    bit = jnp.right_shift(b, jnp.clip(j, 0, CBITS - 1)) & 1
    tab = tab_ref[...]
    m1 = (inch & (bit == 1)).astype(jnp.float32)
    m0 = (inch & (bit == 0)).astype(jnp.float32)
    dn = (((1,), (0,)), ((), ()))
    t_ref[...] = (
        lax.dot_general(m1, tab[:, 1, :], dn, preferred_element_type=jnp.float32)
        + lax.dot_general(m0, tab[:, 0, :], dn, preferred_element_type=jnp.float32))


def _pack_body(x_ref, w_ref):
    i = lax.broadcasted_iota(jnp.int32, (NFEAT, NCHUNK), 0)
    c = lax.broadcasted_iota(jnp.int32, (NFEAT, NCHUNK), 1)
    p = jnp.where((i // CBITS) == c,
                  jnp.left_shift(1, i % CBITS), 0).astype(jnp.float32)
    xf = x_ref[...].astype(jnp.float32)
    wf = lax.dot_general(p, xf, (((0,), (0,)), ((), ())),
                         preferred_element_type=jnp.float32)
    cc = lax.broadcasted_iota(jnp.int32, (NCHUNK, XBLK), 0)
    w_ref[...] = wf.astype(jnp.int32) + cc * CROWS


@functools.lru_cache(maxsize=None)
def _make_sc(n, npad):
    nw = NCORE * NSUBCORE
    rpw = npad // nw
    assert npad % nw == 0 and rpw % NLANE == 0
    bn = 128
    assert rpw % bn == 0
    npair = bn // 2
    ngrp = bn // NLANE

    def body(codes_hbm, t_hbm, out_hbm, w2_v, w_v, t_v, o_vs, sems):
        wid = lax.axis_index("s") * NCORE + lax.axis_index("c")
        row0 = wid * rpw
        nvalid = jnp.minimum(rpw, n - row0)
        nblk_w = (nvalid + bn - 1) // bn
        cps = [pltpu.async_copy(t_hbm, t_v, sems[0])]
        for c in range(NCHUNK):
            cps.append(pltpu.async_copy(
                codes_hbm.at[pl.ds(c * npad + row0, rpw)],
                w2_v.at[pl.ds(c * rpw, rpw)], sems[0]))
        for cp in cps:
            cp.wait()
        iota = lax.iota(jnp.int32, NLANE)
        iota_w = iota * NCHUNK

        hi_mask = jnp.int32(-65536)

        def unpack2(v):
            a = lax.bitcast_convert_type(lax.shift_left(v, 16), jnp.float32)
            b = lax.bitcast_convert_type(v & hi_mask, jnp.float32)
            return a, b

        def accum_row(o_v, wvec, lane0, r):
            chains = [None, None]
            for ci in range(NCHUNK):
                oc = wvec[lane0 + ci] * (DIM // 2)
                row = [plsc.bitcast(t_v[pl.ds(oc + g * NLANE, NLANE)],
                                    jnp.bfloat16) for g in range(4)]
                k = ci & 1
                chains[k] = row if chains[k] is None else [
                    a + b for a, b in zip(chains[k], row)]
            total = [a + b for a, b in zip(chains[0], chains[1])]
            for g in range(4):
                a, b = unpack2(plsc.bitcast(total[g], jnp.int32))
                o_v[r, pl.ds(g * 32, NLANE)] = a
                o_v[r, pl.ds(g * 32 + NLANE, NLANE)] = b

        def do_block(blk, o_v, sem):
            r0loc = jnp.minimum(blk * bn, nvalid - bn)
            r0 = row0 + r0loc

            @pl.when(blk >= 2)
            def _wait_prev():
                pltpu.make_async_copy(
                    o_v, out_hbm.at[pl.ds(0, bn)], sem).wait()

            def xpose_group(g, carry):
                wbase = iota_w + g * (NLANE * NCHUNK)
                for c in range(NCHUNK):
                    cvec = w2_v[pl.ds(c * rpw + r0loc + g * NLANE, NLANE)]
                    plsc.store_scatter(w_v, [wbase + c], cvec)
                return carry

            lax.fori_loop(0, ngrp, xpose_group, 0)

            def pair(p2, carry2):
                wvec = w_v[pl.ds(p2 * NLANE, NLANE)] & jnp.int32(TROWS - 1)
                accum_row(o_v, wvec, 0, 2 * p2)
                accum_row(o_v, wvec, NCHUNK, 2 * p2 + 1)
                return carry2

            lax.fori_loop(0, npair, pair, 0)
            pltpu.async_copy(o_v, out_hbm.at[pl.ds(r0, bn)], sem)

        def body2(k, carry):
            for phase in range(2):
                blk = 2 * k + phase

                @pl.when(blk < nblk_w)
                def _run():
                    do_block(blk, o_vs[phase], sems[phase])

            return carry

        lax.fori_loop(0, (rpw // bn + 1) // 2, body2, 0)
        for phase in range(2):
            pltpu.make_async_copy(
                o_vs[phase], out_hbm.at[pl.ds(0, bn)], sems[phase]).wait()

    return pl.kernel(
        body,
        out_type=jax.ShapeDtypeStruct((n, DIM), jnp.float32),
        mesh=plsc.VectorSubcoreMesh(core_axis_name="c", subcore_axis_name="s",
                                    num_cores=NCORE, num_subcores=NSUBCORE),
        compiler_params=pltpu.CompilerParams(needs_layout_passes=False,
                                             use_tc_tiling_on_sc=True),
        scratch_types=[
            pltpu.VMEM((NCHUNK * (npad // nw),), jnp.int32),
            pltpu.VMEM((bn * NCHUNK,), jnp.int32),
            pltpu.VMEM((TROWS * DIM // 2,), jnp.int32),
            [pltpu.VMEM((bn, DIM), jnp.float32) for _ in range(2)],
            [pltpu.SemaphoreType.DMA for _ in range(2)],
        ],
    )


def kernel(x, tables):
    n = x.shape[0]
    npad = ((n + XBLK - 1) // XBLK) * XBLK
    t = pl.pallas_call(
        _table_body,
        out_shape=jax.ShapeDtypeStruct((TROWS, DIM), jnp.float32),
    )(tables)
    tb = lax.bitcast_convert_type(
        t.reshape(TROWS, 4, 2, NLANE).astype(jnp.bfloat16),
        jnp.uint16).astype(jnp.uint32)
    t_pk = lax.bitcast_convert_type(
        tb[:, :, 0, :] | (tb[:, :, 1, :] << 16), jnp.int32)
    codes = pl.pallas_call(
        _pack_body,
        grid=(npad // XBLK,),
        in_specs=[pl.BlockSpec((NFEAT, XBLK), lambda i: (0, i))],
        out_specs=pl.BlockSpec((NCHUNK, XBLK), lambda i: (0, i)),
        out_shape=jax.ShapeDtypeStruct((NCHUNK, npad), jnp.int32),
    )(x.T)
    return _make_sc(n, npad)(codes.reshape(-1), t_pk.reshape(-1))

# --- scband reference (transcript-rebuilt; emitter-appended) ---
"""Pipeline reference for scband-atom-encoder-59519656788287 (READ-ONLY COPY).

The authoritative reference and input builder live on the scoring server;
editing this copy changes nothing except your own understanding.
"""

import jax, jax.numpy as jnp
import numpy as np

NUM_FEATS = 56
CARD = 2
EMB_DIM = 128
N = 100000


def setup_inputs(seed: int = 0) -> dict:
    key = jax.random.key(seed)
    kx, kt = jax.random.split(key)
    x = jax.random.randint(kx, (N, NUM_FEATS), 0, CARD, dtype=jnp.int32)
    # xavier_uniform init per table, stacked: [56, 2, 128]
    limit = float(np.sqrt(6.0 / (CARD + EMB_DIM)))
    tables = jax.random.uniform(kt, (NUM_FEATS, CARD, EMB_DIM), minval=-limit, maxval=limit, dtype=jnp.float32)
    return {"x": x, "tables": tables}


def reference(x, tables):
    # For each feature column i, gather tables[i][x[:, i]] and sum over i.
    # Advanced indexing: tables[i_idx, x] -> [N, 56, D]
    feat_idx = jnp.arange(NUM_FEATS)[None, :]  # [1, 56]
    gathered = tables[feat_idx, x]  # [N, 56, EMB_DIM]
    return gathered.sum(axis=1)  # [N, EMB_DIM]

if __name__ == "__main__":
    import jax
    _d = setup_inputs()
    print(jax.jit(kernel)(*tuple(_d.values())))

</pallas_src>

<mosaic_0001>
#map = affine_map<(d0, d1) -> (0)>
#map1 = affine_map<(d0, d1) -> (0, 0)>
module attributes {stable_mosaic.version = 14 : i64} {
  func.func @body(%arg0: i32, %arg1: i32, %arg2: memref<819200xi32, #tpu.memory_space<hbm>>, %arg3: memref<65536xi32, #tpu.memory_space<hbm>>, %arg4: memref<100000x128xf32, #tpu.memory_space<hbm>>, %arg5: memref<25600xi32, #tpu.memory_space<vmem>>, %arg6: memref<1024xi32, #tpu.memory_space<vmem>>, %arg7: memref<65536xi32, #tpu.memory_space<vmem>>, %arg8: memref<128x128xf32, #tpu.memory_space<vmem>>, %arg9: memref<128x128xf32, #tpu.memory_space<vmem>>, %arg10: memref<!tpu.dma_semaphore, #tpu.memory_space<semaphore_mem>>, %arg11: memref<!tpu.dma_semaphore, #tpu.memory_space<semaphore_mem>>) attributes {dimension_semantics = [#tpu.dimension_semantics<core_parallel>, #tpu.dimension_semantics<subcore_parallel>], iteration_bounds = array<i64: 2, 16>, scalar_prefetch = 0 : i64, scratch_operands = 7 : i64, tpu.core_type = #tpu.core_type<sc_vector_subcore>, window_params = [{transform_indices = #map}, {transform_indices = #map}, {transform_indices = #map1}]} {
    %mul3A = arith.constant 2 : i32
    %mul3A_0 = arith.muli %arg1, %mul3A : i32
    %add3A = arith.addi %mul3A_0, %arg0 : i32
    %mul3A_1 = arith.constant 3200 : i32
    %mul3A_2 = arith.muli %add3A, %mul3A_1 : i32
    %sub3A = arith.constant 100000 : i32
    %sub3A_3 = arith.subi %sub3A, %mul3A_2 : i32
    %min3A = arith.constant 3200 : i32
    %min3A_4 = arith.minsi %min3A, %sub3A_3 : i32
    %add3A_5 = arith.constant 128 : i32
    %add3A_6 = arith.addi %min3A_4, %add3A_5 : i32
    %sub3A_7 = arith.constant 1 : i32
    %sub3A_8 = arith.subi %add3A_6, %sub3A_7 : i32
    %jit3A = arith.constant 128 : i32
    %div3A = arith.divsi %sub3A_8, %jit3A : i32
    %sign3A = arith.constant 0 : i32
    %sign3A_9 = arith.cmpi sgt, %sub3A_8, %sign3A : i32
    %sign3A_10 = arith.extui %sign3A_9 : i1 to i32
    %sign3A_11 = arith.constant 0 : i32
    %sign3A_12 = arith.cmpi slt, %sub3A_8, %sign3A_11 : i32
    %sign3A_13 = arith.extui %sign3A_12 : i1 to i32
    %sign3A_14 = arith.subi %sign3A_10, %sign3A_13 : i32
    %sign3A_15 = arith.constant 0 : i32
    %sign3A_16 = arith.cmpi sgt, %jit3A, %sign3A_15 : i32
    %sign3A_17 = arith.extui %sign3A_16 : i1 to i32
    %sign3A_18 = arith.constant 0 : i32
    %sign3A_19 = arith.cmpi slt, %jit3A, %sign3A_18 : i32
    %sign3A_20 = arith.extui %sign3A_19 : i1 to i32
    %sign3A_21 = arith.subi %sign3A_17, %sign3A_20 : i32
    %ne3A = arith.cmpi ne, %sign3A_14, %sign3A_21 : i32
    %rem3A = arith.remsi %sub3A_8, %jit3A : i32
    %ne3A_22 = arith.constant 0 : i32
    %ne3A_23 = arith.cmpi ne, %rem3A, %ne3A_22 : i32
    %and3A = arith.andi %ne3A, %ne3A_23 : i1
    %sub3A_24 = arith.constant 1 : i32
    %sub3A_25 = arith.subi %div3A, %sub3A_24 : i32
    %select_n3A = arith.select %and3A, %sub3A_25, %div3A : i32
    tpu.enqueue_dma source(%arg3 : memref<65536xi32, #tpu.memory_space<hbm>>) target(%arg7 : memref<65536xi32, #tpu.memory_space<vmem>>) target_semaphore(%arg10 : memref<!tpu.dma_semaphore, #tpu.memory_space<semaphore_mem>>)
    %add3A_26 = arith.constant 0 : i32
    %add3A_27 = arith.addi %add3A_26, %mul3A_2 : i32
    %dma_start3A = arith.constant 0 : i32
    %dma_start3A_28 = tpu.memref_slice %arg5[%dma_start3A] : memref<25600xi32, #tpu.memory_space<vmem>> -> memref<3200xi32, #tpu.memory_space<vmem>>
    %dma_start3A_29 = tpu.memref_slice %arg2[%add3A_27] : memref<819200xi32, #tpu.memory_space<hbm>> -> memref<3200xi32, #tpu.memory_space<hbm>>
    %dma_start3A_30 = arith.constant 0 : i32
    %dma_start3A_31 = tpu.memref_slice %arg5[%dma_start3A_30] : memref<25600xi32, #tpu.memory_space<vmem>> -> memref<3200xi32, #tpu.memory_space<vmem>>
    %dma_start3A_32 = tpu.memref_slice %arg2[%add3A_27] : memref<819200xi32, #tpu.memory_space<hbm>> -> memref<3200xi32, #tpu.memory_space<hbm>>
    tpu.enqueue_dma source(%dma_start3A_32 : memref<3200xi32, #tpu.memory_space<hbm>>) target(%dma_start3A_31 : memref<3200xi32, #tpu.memory_space<vmem>>) target_semaphore(%arg10 : memref<!tpu.dma_semaphore, #tpu.memory_space<semaphore_mem>>)
    %add3A_33 = arith.constant 102400 : i32
    %add3A_34 = arith.addi %add3A_33, %mul3A_2 : i32
    %dma_start3A_35 = arith.constant 3200 : i32
    %dma_start3A_36 = tpu.memref_slice %arg5[%dma_start3A_35] : memref<25600xi32, #tpu.memory_space<vmem>> -> memref<3200xi32, #tpu.memory_space<vmem>>
    %dma_start3A_37 = tpu.memref_slice %arg2[%add3A_34] : memref<819200xi32, #tpu.memory_space<hbm>> -> memref<3200xi32, #tpu.memory_space<hbm>>
    %dma_start3A_38 = arith.constant 3200 : i32
    %dma_start3A_39 = tpu.memref_slice %arg5[%dma_start3A_38] : memref<25600xi32, #tpu.memory_space<vmem>> -> memref<3200xi32, #tpu.memory_space<vmem>>
    %dma_start3A_40 = tpu.memref_slice %arg2[%add3A_34] : memref<819200xi32, #tpu.memory_space<hbm>> -> memref<3200xi32, #tpu.memory_space<hbm>>
    tpu.enqueue_dma source(%dma_start3A_40 : memref<3200xi32, #tpu.memory_space<hbm>>) target(%dma_start3A_39 : memref<3200xi32, #tpu.memory_space<vmem>>) target_semaphore(%arg10 : memref<!tpu.dma_semaphore, #tpu.memory_space<semaphore_mem>>)
    %add3A_41 = arith.constant 204800 : i32
    %add3A_42 = arith.addi %add3A_41, %mul3A_2 : i32
    %dma_start3A_43 = arith.constant 6400 : i32
    %dma_start3A_44 = tpu.memref_slice %arg5[%dma_start3A_43] : memref<25600xi32, #tpu.memory_space<vmem>> -> memref<3200xi32, #tpu.memory_space<vmem>>
    %dma_start3A_45 = tpu.memref_slice %arg2[%add3A_42] : memref<819200xi32, #tpu.memory_space<hbm>> -> memref<3200xi32, #tpu.memory_space<hbm>>
    %dma_start3A_46 = arith.constant 6400 : i32
    %dma_start3A_47 = tpu.memref_slice %arg5[%dma_start3A_46] : memref<25600xi32, #tpu.memory_space<vmem>> -> memref<3200xi32, #tpu.memory_space<vmem>>
    %dma_start3A_48 = tpu.memref_slice %arg2[%add3A_42] : memref<819200xi32, #tpu.memory_space<hbm>> -> memref<3200xi32, #tpu.memory_space<hbm>>
    tpu.enqueue_dma source(%dma_start3A_48 : memref<3200xi32, #tpu.memory_space<hbm>>) target(%dma_start3A_47 : memref<3200xi32, #tpu.memory_space<vmem>>) target_semaphore(%arg10 : memref<!tpu.dma_semaphore, #tpu.memory_space<semaphore_mem>>)
    %add3A_49 = arith.constant 307200 : i32
    %add3A_50 = arith.addi %add3A_49, %mul3A_2 : i32
    %dma_start3A_51 = arith.constant 9600 : i32
    %dma_start3A_52 = tpu.memref_slice %arg5[%dma_start3A_51] : memref<25600xi32, #tpu.memory_space<vmem>> -> memref<3200xi32, #tpu.memory_space<vmem>>
    %dma_start3A_53 = tpu.memref_slice %arg2[%add3A_50] : memref<819200xi32, #tpu.memory_space<hbm>> -> memref<3200xi32, #tpu.memory_space<hbm>>
    %dma_start3A_54 = arith.constant 9600 : i32
    %dma_start3A_55 = tpu.memref_slice %arg5[%dma_start3A_54] : memref<25600xi32, #tpu.memory_space<vmem>> -> memref<3200xi32, #tpu.memory_space<vmem>>
    %dma_start3A_56 = tpu.memref_slice %arg2[%add3A_50] : memref<819200xi32, #tpu.memory_space<hbm>> -> memref<3200xi32, #tpu.memory_space<hbm>>
    tpu.enqueue_dma source(%dma_start3A_56 : memref<3200xi32, #tpu.memory_space<hbm>>) target(%dma_start3A_55 : memref<3200xi32, #tpu.memory_space<vmem>>) target_semaphore(%arg10 : memref<!tpu.dma_semaphore, #tpu.memory_space<semaphore_mem>>)
    %add3A_57 = arith.constant 409600 : i32
    %add3A_58 = arith.addi %add3A_57, %mul3A_2 : i32
    %dma_start3A_59 = arith.constant 12800 : i32
    %dma_start3A_60 = tpu.memref_slice %arg5[%dma_start3A_59] : memref<25600xi32, #tpu.memory_space<vmem>> -> memref<3200xi32, #tpu.memory_space<vmem>>
    %dma_start3A_61 = tpu.memref_slice %arg2[%add3A_58] : memref<819200xi32, #tpu.memory_space<hbm>> -> memref<3200xi32, #tpu.memory_space<hbm>>
    %dma_start3A_62 = arith.constant 12800 : i32
    %dma_start3A_63 = tpu.memref_slice %arg5[%dma_start3A_62] : memref<25600xi32, #tpu.memory_space<vmem>> -> memref<3200xi32, #tpu.memory_space<vmem>>
    %dma_start3A_64 = tpu.memref_slice %arg2[%add3A_58] : memref<819200xi32, #tpu.memory_space<hbm>> -> memref<3200xi32, #tpu.memory_space<hbm>>
    tpu.enqueue_dma source(%dma_start3A_64 : memref<3200xi32, #tpu.memory_space<hbm>>) target(%dma_start3A_63 : memref<3200xi32, #tpu.memory_space<vmem>>) target_semaphore(%arg10 : memref<!tpu.dma_semaphore, #tpu.memory_space<semaphore_mem>>)
    %add3A_65 = arith.constant 512000 : i32
    %add3A_66 = arith.addi %add3A_65, %mul3A_2 : i32
    %dma_start3A_67 = arith.constant 16000 : i32
    %dma_start3A_68 = tpu.memref_slice %arg5[%dma_start3A_67] : memref<25600xi32, #tpu.memory_space<vmem>> -> memref<3200xi32, #tpu.memory_space<vmem>>
    %dma_start3A_69 = tpu.memref_slice %arg2[%add3A_66] : memref<819200xi32, #tpu.memory_space<hbm>> -> memref<3200xi32, #tpu.memory_space<hbm>>
    %dma_start3A_70 = arith.constant 16000 : i32
    %dma_start3A_71 = tpu.memref_slice %arg5[%dma_start3A_70] : memref<25600xi32, #tpu.memory_space<vmem>> -> memref<3200xi32, #tpu.memory_space<vmem>>
    %dma_start3A_72 = tpu.memref_slice %arg2[%add3A_66] : memref<819200xi32, #tpu.memory_space<hbm>> -> memref<3200xi32, #tpu.memory_space<hbm>>
    tpu.enqueue_dma source(%dma_start3A_72 : memref<3200xi32, #tpu.memory_space<hbm>>) target(%dma_start3A_71 : memref<3200xi32, #tpu.memory_space<vmem>>) target_semaphore(%arg10 : memref<!tpu.dma_semaphore, #tpu.memory_space<semaphore_mem>>)
    %add3A_73 = arith.constant 614400 : i32
    %add3A_74 = arith.addi %add3A_73, %mul3A_2 : i32
    %dma_start3A_75 = arith.constant 19200 : i32
    %dma_start3A_76 = tpu.memref_slice %arg5[%dma_start3A_75] : memref<25600xi32, #tpu.memory_space<vmem>> -> memref<3200xi32, #tpu.memory_space<vmem>>
    %dma_start3A_77 = tpu.memref_slice %arg2[%add3A_74] : memref<819200xi32, #tpu.memory_space<hbm>> -> memref<3200xi32, #tpu.memory_space<hbm>>
    %dma_start3A_78 = arith.constant 19200 : i32
    %dma_start3A_79 = tpu.memref_slice %arg5[%dma_start3A_78] : memref<25600xi32, #tpu.memory_space<vmem>> -> memref<3200xi32, #tpu.memory_space<vmem>>
    %dma_start3A_80 = tpu.memref_slice %arg2[%add3A_74] : memref<819200xi32, #tpu.memory_space<hbm>> -> memref<3200xi32, #tpu.memory_space<hbm>>
    tpu.enqueue_dma source(%dma_start3A_80 : memref<3200xi32, #tpu.memory_space<hbm>>) target(%dma_start3A_79 : memref<3200xi32, #tpu.memory_space<vmem>>) target_semaphore(%arg10 : memref<!tpu.dma_semaphore, #tpu.memory_space<semaphore_mem>>)
    %add3A_81 = arith.constant 716800 : i32
    %add3A_82 = arith.addi %add3A_81, %mul3A_2 : i32
    %dma_start3A_83 = arith.constant 22400 : i32
    %dma_start3A_84 = tpu.memref_slice %arg5[%dma_start3A_83] : memref<25600xi32, #tpu.memory_space<vmem>> -> memref<3200xi32, #tpu.memory_space<vmem>>
    %dma_start3A_85 = tpu.memref_slice %arg2[%add3A_82] : memref<819200xi32, #tpu.memory_space<hbm>> -> memref<3200xi32, #tpu.memory_space<hbm>>
    %dma_start3A_86 = arith.constant 22400 : i32
    %dma_start3A_87 = tpu.memref_slice %arg5[%dma_start3A_86] : memref<25600xi32, #tpu.memory_space<vmem>> -> memref<3200xi32, #tpu.memory_space<vmem>>
    %dma_start3A_88 = tpu.memref_slice %arg2[%add3A_82] : memref<819200xi32, #tpu.memory_space<hbm>> -> memref<3200xi32, #tpu.memory_space<hbm>>
    tpu.enqueue_dma source(%dma_start3A_88 : memref<3200xi32, #tpu.memory_space<hbm>>) target(%dma_start3A_87 : memref<3200xi32, #tpu.memory_space<vmem>>) target_semaphore(%arg10 : memref<!tpu.dma_semaphore, #tpu.memory_space<semaphore_mem>>)
    tpu.wait_dma2 semaphore(%arg10 : memref<!tpu.dma_semaphore, #tpu.memory_space<semaphore_mem>>) src(%arg3 : memref<65536xi32, #tpu.memory_space<hbm>>) dst(%arg7 : memref<65536xi32, #tpu.memory_space<vmem>>)
    %dma_wait3A = arith.constant 0 : i32
    %dma_wait3A_89 = tpu.memref_slice %arg5[%dma_wait3A] : memref<25600xi32, #tpu.memory_space<vmem>> -> memref<3200xi32, #tpu.memory_space<vmem>>
    %dma_wait3A_90 = tpu.memref_slice %arg2[%add3A_27] : memref<819200xi32, #tpu.memory_space<hbm>> -> memref<3200xi32, #tpu.memory_space<hbm>>
    %dma_wait3A_91 = arith.constant 0 : i32
    %dma_wait3A_92 = tpu.memref_slice %arg5[%dma_wait3A_91] : memref<25600xi32, #tpu.memory_space<vmem>> -> memref<3200xi32, #tpu.memory_space<vmem>>
    %dma_wait3A_93 = tpu.memref_slice %arg2[%add3A_27] : memref<819200xi32, #tpu.memory_space<hbm>> -> memref<3200xi32, #tpu.memory_space<hbm>>
    tpu.wait_dma2 semaphore(%arg10 : memref<!tpu.dma_semaphore, #tpu.memory_space<semaphore_mem>>) src(%dma_wait3A_93 : memref<3200xi32, #tpu.memory_space<hbm>>) dst(%dma_wait3A_92 : memref<3200xi32, #tpu.memory_space<vmem>>)
    %dma_wait3A_94 = arith.constant 3200 : i32
    %dma_wait3A_95 = tpu.memref_slice %arg5[%dma_wait3A_94] : memref<25600xi32, #tpu.memory_space<vmem>> -> memref<3200xi32, #tpu.memory_space<vmem>>
    %dma_wait3A_96 = tpu.memref_slice %arg2[%add3A_34] : memref<819200xi32, #tpu.memory_space<hbm>> -> memref<3200xi32, #tpu.memory_space<hbm>>
    %dma_wait3A_97 = arith.constant 3200 : i32
    %dma_wait3A_98 = tpu.memref_slice %arg5[%dma_wait3A_97] : memref<25600xi32, #tpu.memory_space<vmem>> -> memref<3200xi32, #tpu.memory_space<vmem>>
    %dma_wait3A_99 = tpu.memref_slice %arg2[%add3A_34] : memref<819200xi32, #tpu.memory_space<hbm>> -> memref<3200xi32, #tpu.memory_space<hbm>>
    tpu.wait_dma2 semaphore(%arg10 : memref<!tpu.dma_semaphore, #tpu.memory_space<semaphore_mem>>) src(%dma_wait3A_99 : memref<3200xi32, #tpu.memory_space<hbm>>) dst(%dma_wait3A_98 : memref<3200xi32, #tpu.memory_space<vmem>>)
    %dma_wait3A_100 = arith.constant 6400 : i32
    %dma_wait3A_101 = tpu.memref_slice %arg5[%dma_wait3A_100] : memref<25600xi32, #tpu.memory_space<vmem>> -> memref<3200xi32, #tpu.memory_space<vmem>>
    %dma_wait3A_102 = tpu.memref_slice %arg2[%add3A_42] : memref<819200xi32, #tpu.memory_space<hbm>> -> memref<3200xi32, #tpu.memory_space<hbm>>
    %dma_wait3A_103 = arith.constant 6400 : i32
    %dma_wait3A_104 = tpu.memref_slice %arg5[%dma_wait3A_103] : memref<25600xi32, #tpu.memory_space<vmem>> -> memref<3200xi32, #tpu.memory_space<vmem>>
    %dma_wait3A_105 = tpu.memref_slice %arg2[%add3A_42] : memref<819200xi32, #tpu.memory_space<hbm>> -> memref<3200xi32, #tpu.memory_space<hbm>>
    tpu.wait_dma2 semaphore(%arg10 : memref<!tpu.dma_semaphore, #tpu.memory_space<semaphore_mem>>) src(%dma_wait3A_105 : memref<3200xi32, #tpu.memory_space<hbm>>) dst(%dma_wait3A_104 : memref<3200xi32, #tpu.memory_space<vmem>>)
    %dma_wait3A_106 = arith.constant 9600 : i32
    %dma_wait3A_107 = tpu.memref_slice %arg5[%dma_wait3A_106] : memref<25600xi32, #tpu.memory_space<vmem>> -> memref<3200xi32, #tpu.memory_space<vmem>>
    %dma_wait3A_108 = tpu.memref_slice %arg2[%add3A_50] : memref<819200xi32, #tpu.memory_space<hbm>> -> memref<3200xi32, #tpu.memory_space<hbm>>
    %dma_wait3A_109 = arith.constant 9600 : i32
    %dma_wait3A_110 = tpu.memref_slice %arg5[%dma_wait3A_109] : memref<25600xi32, #tpu.memory_space<vmem>> -> memref<3200xi32, #tpu.memory_space<vmem>>
    %dma_wait3A_111 = tpu.memref_slice %arg2[%add3A_50] : memref<819200xi32, #tpu.memory_space<hbm>> -> memref<3200xi32, #tpu.memory_space<hbm>>
    tpu.wait_dma2 semaphore(%arg10 : memref<!tpu.dma_semaphore, #tpu.memory_space<semaphore_mem>>) src(%dma_wait3A_111 : memref<3200xi32, #tpu.memory_space<hbm>>) dst(%dma_wait3A_110 : memref<3200xi32, #tpu.memory_space<vmem>>)
    %dma_wait3A_112 = arith.constant 12800 : i32
    %dma_wait3A_113 = tpu.memref_slice %arg5[%dma_wait3A_112] : memref<25600xi32, #tpu.memory_space<vmem>> -> memref<3200xi32, #tpu.memory_space<vmem>>
    %dma_wait3A_114 = tpu.memref_slice %arg2[%add3A_58] : memref<819200xi32, #tpu.memory_space<hbm>> -> memref<3200xi32, #tpu.memory_space<hbm>>
    %dma_wait3A_115 = arith.constant 12800 : i32
    %dma_wait3A_116 = tpu.memref_slice %arg5[%dma_wait3A_115] : memref<25600xi32, #tpu.memory_space<vmem>> -> memref<3200xi32, #tpu.memory_space<vmem>>
    %dma_wait3A_117 = tpu.memref_slice %arg2[%add3A_58] : memref<819200xi32, #tpu.memory_space<hbm>> -> memref<3200xi32, #tpu.memory_space<hbm>>
    tpu.wait_dma2 semaphore(%arg10 : memref<!tpu.dma_semaphore, #tpu.memory_space<semaphore_mem>>) src(%dma_wait3A_117 : memref<3200xi32, #tpu.memory_space<hbm>>) dst(%dma_wait3A_116 : memref<3200xi32, #tpu.memory_space<vmem>>)
    %dma_wait3A_118 = arith.constant 16000 : i32
    %dma_wait3A_119 = tpu.memref_slice %arg5[%dma_wait3A_118] : memref<25600xi32, #tpu.memory_space<vmem>> -> memref<3200xi32, #tpu.memory_space<vmem>>
    %dma_wait3A_120 = tpu.memref_slice %arg2[%add3A_66] : memref<819200xi32, #tpu.memory_space<hbm>> -> memref<3200xi32, #tpu.memory_space<hbm>>
    %dma_wait3A_121 = arith.constant 16000 : i32
    %dma_wait3A_122 = tpu.memref_slice %arg5[%dma_wait3A_121] : memref<25600xi32, #tpu.memory_space<vmem>> -> memref<3200xi32, #tpu.memory_space<vmem>>
    %dma_wait3A_123 = tpu.memref_slice %arg2[%add3A_66] : memref<819200xi32, #tpu.memory_space<hbm>> -> memref<3200xi32, #tpu.memory_space<hbm>>
    tpu.wait_dma2 semaphore(%arg10 : memref<!tpu.dma_semaphore, #tpu.memory_space<semaphore_mem>>) src(%dma_wait3A_123 : memref<3200xi32, #tpu.memory_space<hbm>>) dst(%dma_wait3A_122 : memref<3200xi32, #tpu.memory_space<vmem>>)
    %dma_wait3A_124 = arith.constant 19200 : i32
    %dma_wait3A_125 = tpu.memref_slice %arg5[%dma_wait3A_124] : memref<25600xi32, #tpu.memory_space<vmem>> -> memref<3200xi32, #tpu.memory_space<vmem>>
    %dma_wait3A_126 = tpu.memref_slice %arg2[%add3A_74] : memref<819200xi32, #tpu.memory_space<hbm>> -> memref<3200xi32, #tpu.memory_space<hbm>>
    %dma_wait3A_127 = arith.constant 19200 : i32
    %dma_wait3A_128 = tpu.memref_slice %arg5[%dma_wait3A_127] : memref<25600xi32, #tpu.memory_space<vmem>> -> memref<3200xi32, #tpu.memory_space<vmem>>
    %dma_wait3A_129 = tpu.memref_slice %arg2[%add3A_74] : memref<819200xi32, #tpu.memory_space<hbm>> -> memref<3200xi32, #tpu.memory_space<hbm>>
    tpu.wait_dma2 semaphore(%arg10 : memref<!tpu.dma_semaphore, #tpu.memory_space<semaphore_mem>>) src(%dma_wait3A_129 : memref<3200xi32, #tpu.memory_space<hbm>>) dst(%dma_wait3A_128 : memref<3200xi32, #tpu.memory_space<vmem>>)
    %dma_wait3A_130 = arith.constant 22400 : i32
    %dma_wait3A_131 = tpu.memref_slice %arg5[%dma_wait3A_130] : memref<25600xi32, #tpu.memory_space<vmem>> -> memref<3200xi32, #tpu.memory_space<vmem>>
    %dma_wait3A_132 = tpu.memref_slice %arg2[%add3A_82] : memref<819200xi32, #tpu.memory_space<hbm>> -> memref<3200xi32, #tpu.memory_space<hbm>>
    %dma_wait3A_133 = arith.constant 22400 : i32
    %dma_wait3A_134 = tpu.memref_slice %arg5[%dma_wait3A_133] : memref<25600xi32, #tpu.memory_space<vmem>> -> memref<3200xi32, #tpu.memory_space<vmem>>
    %dma_wait3A_135 = tpu.memref_slice %arg2[%add3A_82] : memref<819200xi32, #tpu.memory_space<hbm>> -> memref<3200xi32, #tpu.memory_space<hbm>>
    tpu.wait_dma2 semaphore(%arg10 : memref<!tpu.dma_semaphore, #tpu.memory_space<semaphore_mem>>) src(%dma_wait3A_135 : memref<3200xi32, #tpu.memory_space<hbm>>) dst(%dma_wait3A_134 : memref<3200xi32, #tpu.memory_space<vmem>>)
    %iota3A = tpu.iota {dimensions = array<i32: 0>} : vector<16xi32>
    %mul3A_136 = arith.constant 8 : i32
    %mul3A_137 = vector.broadcast %mul3A_136 : i32 to vector<16xi32>
    %mul3A_138 = arith.muli %iota3A, %mul3A_137 : vector<16xi32>
    %scan3A = arith.constant 0 : i32
    %scan3A_139 = arith.constant -65536 : i32
    %scan3A_140 = arith.constant 0 : i32
    %scan3A_141 = arith.constant 13 : i32
    %scan3A_142 = arith.addi %scan3A_140, %scan3A_141 : i32
    %scan3A_143 = arith.constant 1 : i32
    scf.for %scan3A_157 = %scan3A_140 to %scan3A_142 step %scan3A_143  : i32 {
      %mul3A_158 = arith.constant 2 : i32
      %mul3A_159 = arith.muli %mul3A_158, %scan3A_157 : i32
      %add3A_160 = arith.constant 0 : i32
      %add3A_161 = arith.addi %mul3A_159, %add3A_160 : i32
      %lt3A = arith.cmpi slt, %add3A_161, %select_n3A : i32
      %convert_element_type3A = arith.extui %lt3A : i1 to i32
      %cond3A = arith.constant 0 : i32
      %cond3A_162 = arith.cmpi ne, %convert_element_type3A, %cond3A : i32
      scf.if %cond3A_162 {
        %mul3A_171 = arith.constant 128 : i32
        %mul3A_172 = arith.muli %add3A_161, %mul3A_171 : i32
        %sub3A_173 = arith.constant 128 : i32
        %sub3A_174 = arith.subi %min3A_4, %sub3A_173 : i32
        %min3A_175 = arith.minsi %mul3A_172, %sub3A_174 : i32
        %add3A_176 = arith.addi %mul3A_2, %min3A_175 : i32
        %ge3A = arith.constant 2 : i32
        %ge3A_177 = arith.cmpi sge, %add3A_161, %ge3A : i32
        %convert_element_type3A_178 = arith.extui %ge3A_177 : i1 to i32
        %cond3A_179 = arith.constant 0 : i32
        %cond3A_180 = arith.cmpi ne, %convert_element_type3A_178, %cond3A_179 : i32
        scf.if %cond3A_180 {
          %dma_wait3A_197 = arith.constant 0 : i32
          %dma_wait3A_198 = arith.constant 0 : i32
          %dma_wait3A_199 = tpu.memref_slice %arg4[%dma_wait3A_197, %dma_wait3A_198] : memref<100000x128xf32, #tpu.memory_space<hbm>> -> memref<128x128xf32, #tpu.memory_space<hbm>>
          %dma_wait3A_200 = arith.constant 0 : i32
          %dma_wait3A_201 = arith.constant 0 : i32
          %dma_wait3A_202 = tpu.memref_slice %arg4[%dma_wait3A_200, %dma_wait3A_201] : memref<100000x128xf32, #tpu.memory_space<hbm>> -> memref<128x128xf32, #tpu.memory_space<hbm>>
          tpu.wait_dma2 semaphore(%arg10 : memref<!tpu.dma_semaphore, #tpu.memory_space<semaphore_mem>>) src(%arg8 : memref<128x128xf32, #tpu.memory_space<vmem>>) dst(%dma_wait3A_202 : memref<128x128xf32, #tpu.memory_space<hbm>>)
        } else {
        }
        %scan3A_181 = arith.constant 0 : i32
        %scan3A_182 = arith.constant 0 : i32
        %scan3A_183 = arith.constant 8 : i32
        %scan3A_184 = arith.addi %scan3A_182, %scan3A_183 : i32
        %scan3A_185 = arith.constant 1 : i32
        scf.for %scan3A_197 = %scan3A_182 to %scan3A_184 step %scan3A_185  : i32 {
          %mul3A_198 = arith.constant 128 : i32
          %mul3A_199 = arith.muli %scan3A_197, %mul3A_198 : i32
          %add3A_200 = vector.broadcast %mul3A_199 : i32 to vector<16xi32>
          %add3A_201 = arith.addi %mul3A_138, %add3A_200 : vector<16xi32>
          %add3A_202 = arith.constant 0 : i32
          %add3A_203 = arith.addi %add3A_202, %min3A_175 : i32
          %mul3A_204 = arith.constant 16 : i32
          %mul3A_205 = arith.muli %scan3A_197, %mul3A_204 : i32
          %add3A_206 = arith.addi %add3A_203, %mul3A_205 : i32
          %get3A = arith.index_cast %add3A_206 : i32 to index
          %get3A_207 = tpu.vector_load %arg5[%get3A] {strides = array<i32>} : memref<25600xi32, #tpu.memory_space<vmem>>, vector<16xi32>,
          %add3A_208 = arith.constant 0 : i32
          %add3A_209 = vector.broadcast %add3A_208 : i32 to vector<16xi32>
          %add3A_210 = arith.addi %add3A_201, %add3A_209 : vector<16xi32>
          tpu.vector_store_idx %arg6[%add3A_210], %get3A_207 : memref<1024xi32, #tpu.memory_space<vmem>>[vector<16xi32>], vector<16xi32>,
          %add3A_211 = arith.constant 3200 : i32
          %add3A_212 = arith.addi %add3A_211, %min3A_175 : i32
          %mul3A_213 = arith.constant 16 : i32
          %mul3A_214 = arith.muli %scan3A_197, %mul3A_213 : i32
          %add3A_215 = arith.addi %add3A_212, %mul3A_214 : i32
          %get3A_216 = arith.index_cast %add3A_215 : i32 to index
          %get3A_217 = tpu.vector_load %arg5[%get3A_216] {strides = array<i32>} : memref<25600xi32, #tpu.memory_space<vmem>>, vector<16xi32>,
          %add3A_218 = arith.constant 1 : i32
          %add3A_219 = vector.broadcast %add3A_218 : i32 to vector<16xi32>
          %add3A_220 = arith.addi %add3A_201, %add3A_219 : vector<16xi32>
          tpu.vector_store_idx %arg6[%add3A_220], %get3A_217 : memref<1024xi32, #tpu.memory_space<vmem>>[vector<16xi32>], vector<16xi32>,
          %add3A_221 = arith.constant 6400 : i32
          %add3A_222 = arith.addi %add3A_221, %min3A_175 : i32
          %mul3A_223 = arith.constant 16 : i32
          %mul3A_224 = arith.muli %scan3A_197, %mul3A_223 : i32
          %add3A_225 = arith.addi %add3A_222, %mul3A_224 : i32
          %get3A_226 = arith.index_cast %add3A_225 : i32 to index
          %get3A_227 = tpu.vector_load %arg5[%get3A_226] {strides = array<i32>} : memref<25600xi32, #tpu.memory_space<vmem>>, vector<16xi32>,
          %add3A_228 = arith.constant 2 : i32
          %add3A_229 = vector.broadcast %add3A_228 : i32 to vector<16xi32>
          %add3A_230 = arith.addi %add3A_201, %add3A_229 : vector<16xi32>
          tpu.vector_store_idx %arg6[%add3A_230], %get3A_227 : memref<1024xi32, #tpu.memory_space<vmem>>[vector<16xi32>], vector<16xi32>,
          %add3A_231 = arith.constant 9600 : i32
          %add3A_232 = arith.addi %add3A_231, %min3A_175 : i32
          %mul3A_233 = arith.constant 16 : i32
          %mul3A_234 = arith.muli %scan3A_197, %mul3A_233 : i32
          %add3A_235 = arith.addi %add3A_232, %mul3A_234 : i32
          %get3A_236 = arith.index_cast %add3A_235 : i32 to index
          %get3A_237 = tpu.vector_load %arg5[%get3A_236] {strides = array<i32>} : memref<25600xi32, #tpu.memory_space<vmem>>, vector<16xi32>,
          %add3A_238 = arith.constant 3 : i32
          %add3A_239 = vector.broadcast %add3A_238 : i32 to vector<16xi32>
          %add3A_240 = arith.addi %add3A_201, %add3A_239 : vector<16xi32>
          tpu.vector_store_idx %arg6[%add3A_240], %get3A_237 : memref<1024xi32, #tpu.memory_space<vmem>>[vector<16xi32>], vector<16xi32>,
          %add3A_241 = arith.constant 12800 : i32
          %add3A_242 = arith.addi %add3A_241, %min3A_175 : i32
          %mul3A_243 = arith.constant 16 : i32
          %mul3A_244 = arith.muli %scan3A_197, %mul3A_243 : i32
          %add3A_245 = arith.addi %add3A_242, %mul3A_244 : i32
          %get3A_246 = arith.index_cast %add3A_245 : i32 to index
          %get3A_247 = tpu.vector_load %arg5[%get3A_246] {strides = array<i32>} : memref<25600xi32, #tpu.memory_space<vmem>>, vector<16xi32>,
          %add3A_248 = arith.constant 4 : i32
          %add3A_249 = vector.broadcast %add3A_248 : i32 to vector<16xi32>
          %add3A_250 = arith.addi %add3A_201, %add3A_249 : vector<16xi32>
          tpu.vector_store_idx %arg6[%add3A_250], %get3A_247 : memref<1024xi32, #tpu.memory_space<vmem>>[vector<16xi32>], vector<16xi32>,
          %add3A_251 = arith.constant 16000 : i32
          %add3A_252 = arith.addi %add3A_251, %min3A_175 : i32
          %mul3A_253 = arith.constant 16 : i32
          %mul3A_254 = arith.muli %scan3A_197, %mul3A_253 : i32
          %add3A_255 = arith.addi %add3A_252, %mul3A_254 : i32
          %get3A_256 = arith.index_cast %add3A_255 : i32 to index
          %get3A_257 = tpu.vector_load %arg5[%get3A_256] {strides = array<i32>} : memref<25600xi32, #tpu.memory_space<vmem>>, vector<16xi32>,
          %add3A_258 = arith.constant 5 : i32
          %add3A_259 = vector.broadcast %add3A_258 : i32 to vector<16xi32>
          %add3A_260 = arith.addi %add3A_201, %add3A_259 : vector<16xi32>
          tpu.vector_store_idx %arg6[%add3A_260], %get3A_257 : memref<1024xi32, #tpu.memory_space<vmem>>[vector<16xi32>], vector<16xi32>,
          %add3A_261 = arith.constant 19200 : i32
          %add3A_262 = arith.addi %add3A_261, %min3A_175 : i32
          %mul3A_263 = arith.constant 16 : i32
          %mul3A_264 = arith.muli %scan3A_197, %mul3A_263 : i32
          %add3A_265 = arith.addi %add3A_262, %mul3A_264 : i32
          %get3A_266 = arith.index_cast %add3A_265 : i32 to index
          %get3A_267 = tpu.vector_load %arg5[%get3A_266] {strides = array<i32>} : memref<25600xi32, #tpu.memory_space<vmem>>, vector<16xi32>,
          %add3A_268 = arith.constant 6 : i32
          %add3A_269 = vector.broadcast %add3A_268 : i32 to vector<16xi32>
          %add3A_270 = arith.addi %add3A_201, %add3A_269 : vector<16xi32>
          tpu.vector_store_idx %arg6[%add3A_270], %get3A_267 : memref<1024xi32, #tpu.memory_space<vmem>>[vector<16xi32>], vector<16xi32>,
          %add3A_271 = arith.constant 22400 : i32
          %add3A_272 = arith.addi %add3A_271, %min3A_175 : i32
          %mul3A_273 = arith.constant 16 : i32
          %mul3A_274 = arith.muli %scan3A_197, %mul3A_273 : i32
          %add3A_275 = arith.addi %add3A_272, %mul3A_274 : i32
          %get3A_276 = arith.index_cast %add3A_275 : i32 to index
          %get3A_277 = tpu.vector_load %arg5[%get3A_276] {strides = array<i32>} : memref<25600xi32, #tpu.memory_space<vmem>>, vector<16xi32>,
          %add3A_278 = arith.constant 7 : i32
          %add3A_279 = vector.broadcast %add3A_278 : i32 to vector<16xi32>
          %add3A_280 = arith.addi %add3A_201, %add3A_279 : vector<16xi32>
          tpu.vector_store_idx %arg6[%add3A_280], %get3A_277 : memref<1024xi32, #tpu.memory_space<vmem>>[vector<16xi32>], vector<16xi32>,
        }
        %scan3A_186 = arith.constant 8 : i32
        %scan3A_187 = arith.constant 0 : i32
        %scan3A_188 = arith.constant 0 : i32
        %scan3A_189 = arith.constant 64 : i32
        %scan3A_190 = arith.addi %scan3A_188, %scan3A_189 : i32
        %scan3A_191 = arith.constant 1 : i32
        scf.for %scan3A_197 = %scan3A_188 to %scan3A_190 step %scan3A_191  : i32 {
          %mul3A_198 = arith.constant 16 : i32
          %mul3A_199 = arith.muli %scan3A_197, %mul3A_198 : i32
          %get3A = arith.index_cast %mul3A_199 : i32 to index
          %get3A_200 = tpu.vector_load %arg6[%get3A] {strides = array<i32>} : memref<1024xi32, #tpu.memory_space<vmem>>, vector<16xi32>,
          %and3A_201 = arith.constant 1023 : i32
          %and3A_202 = vector.broadcast %and3A_201 : i32 to vector<16xi32>
          %and3A_203 = arith.andi %get3A_200, %and3A_202 : vector<16xi32>
          %mul3A_204 = arith.constant 2 : i32
          %mul3A_205 = arith.muli %mul3A_204, %scan3A_197 : i32
          %slice3A = vector.extract_strided_slice %and3A_203 {offsets = [0], sizes = [1], strides = [1]} : vector<16xi32> to vector<1xi32>
          %squeeze3A = vector.extract %slice3A[0] : i32 from vector<1xi32>
          %mul3A_206 = arith.constant 64 : i32
          %mul3A_207 = arith.muli %squeeze3A, %mul3A_206 : i32
          %add3A_208 = arith.constant 0 : i32
          %add3A_209 = arith.addi %mul3A_207, %add3A_208 : i32
          %get3A_210 = arith.index_cast %add3A_209 : i32 to index
          %get3A_211 = tpu.vector_load %arg7[%get3A_210] {strides = array<i32>} : memref<65536xi32, #tpu.memory_space<vmem>>, vector<16xi32>,
          %bitcast3A = vector.bitcast %get3A_211 : vector<16xi32> to vector<32xbf16>
          %add3A_212 = arith.constant 16 : i32
          %add3A_213 = arith.addi %mul3A_207, %add3A_212 : i32
          %get3A_214 = arith.index_cast %add3A_213 : i32 to index
          %get3A_215 = tpu.vector_load %arg7[%get3A_214] {strides = array<i32>} : memref<65536xi32, #tpu.memory_space<vmem>>, vector<16xi32>,
          %bitcast3A_216 = vector.bitcast %get3A_215 : vector<16xi32> to vector<32xbf16>
          %add3A_217 = arith.constant 32 : i32
          %add3A_218 = arith.addi %mul3A_207, %add3A_217 : i32
          %get3A_219 = arith.index_cast %add3A_218 : i32 to index
          %get3A_220 = tpu.vector_load %arg7[%get3A_219] {strides = array<i32>} : memref<65536xi32, #tpu.memory_space<vmem>>, vector<16xi32>,
          %bitcast3A_221 = vector.bitcast %get3A_220 : vector<16xi32> to vector<32xbf16>
          %add3A_222 = arith.constant 48 : i32
          %add3A_223 = arith.addi %mul3A_207, %add3A_222 : i32
          %get3A_224 = arith.index_cast %add3A_223 : i32 to index
          %get3A_225 = tpu.vector_load %arg7[%get3A_224] {strides = array<i32>} : memref<65536xi32, #tpu.memory_space<vmem>>, vector<16xi32>,
          %bitcast3A_226 = vector.bitcast %get3A_225 : vector<16xi32> to vector<32xbf16>
          %slice3A_227 = vector.extract_strided_slice %and3A_203 {offsets = [1], sizes = [1], strides = [1]} : vector<16xi32> to vector<1xi32>
          %squeeze3A_228 = vector.extract %slice3A_227[0] : i32 from vector<1xi32>
          %mul3A_229 = arith.constant 64 : i32
          %mul3A_230 = arith.muli %squeeze3A_228, %mul3A_229 : i32
          %add3A_231 = arith.constant 0 : i32
          %add3A_232 = arith.addi %mul3A_230, %add3A_231 : i32
          %get3A_233 = arith.index_cast %add3A_232 : i32 to index
          %get3A_234 = tpu.vector_load %arg7[%get3A_233] {strides = array<i32>} : memref<65536xi32, #tpu.memory_space<vmem>>, vector<16xi32>,
          %bitcast3A_235 = vector.bitcast %get3A_234 : vector<16xi32> to vector<32xbf16>
          %add3A_236 = arith.constant 16 : i32
          %add3A_237 = arith.addi %mul3A_230, %add3A_236 : i32
          %get3A_238 = arith.index_cast %add3A_237 : i32 to index
          %get3A_239 = tpu.vector_load %arg7[%get3A_238] {strides = array<i32>} : memref<65536xi32, #tpu.memory_space<vmem>>, vector<16xi32>,
          %bitcast3A_240 = vector.bitcast %get3A_239 : vector<16xi32> to vector<32xbf16>
          %add3A_241 = arith.constant 32 : i32
          %add3A_242 = arith.addi %mul3A_230, %add3A_241 : i32
          %get3A_243 = arith.index_cast %add3A_242 : i32 to index
          %get3A_244 = tpu.vector_load %arg7[%get3A_243] {strides = array<i32>} : memref<65536xi32, #tpu.memory_space<vmem>>, vector<16xi32>,
          %bitcast3A_245 = vector.bitcast %get3A_244 : vector<16xi32> to vector<32xbf16>
          %add3A_246 = arith.constant 48 : i32
          %add3A_247 = arith.addi %mul3A_230, %add3A_246 : i32
          %get3A_248 = arith.index_cast %add3A_247 : i32 to index
          %get3A_249 = tpu.vector_load %arg7[%get3A_248] {strides = array<i32>} : memref<65536xi32, #tpu.memory_space<vmem>>, vector<16xi32>,
          %bitcast3A_250 = vector.bitcast %get3A_249 : vector<16xi32> to vector<32xbf16>
          %slice3A_251 = vector.extract_strided_slice %and3A_203 {offsets = [2], sizes = [1], strides = [1]} : vector<16xi32> to vector<1xi32>
          %squeeze3A_252 = vector.extract %slice3A_251[0] : i32 from vector<1xi32>
          %mul3A_253 = arith.constant 64 : i32
          %mul3A_254 = arith.muli %squeeze3A_252, %mul3A_253 : i32
          %add3A_255 = arith.constant 0 : i32
          %add3A_256 = arith.addi %mul3A_254, %add3A_255 : i32
          %get3A_257 = arith.index_cast %add3A_256 : i32 to index
          %get3A_258 = tpu.vector_load %arg7[%get3A_257] {strides = array<i32>} : memref<65536xi32, #tpu.memory_space<vmem>>, vector<16xi32>,
          %bitcast3A_259 = vector.bitcast %get3A_258 : vector<16xi32> to vector<32xbf16>
          %add3A_260 = arith.constant 16 : i32
          %add3A_261 = arith.addi %mul3A_254, %add3A_260 : i32
          %get3A_262 = arith.index_cast %add3A_261 : i32 to index
          %get3A_263 = tpu.vector_load %arg7[%get3A_262] {strides = array<i32>} : memref<65536xi32, #tpu.memory_space<vmem>>, vector<16xi32>,
          %bitcast3A_264 = vector.bitcast %get3A_263 : vector<16xi32> to vector<32xbf16>
          %add3A_265 = arith.constant 32 : i32
          %add3A_266 = arith.addi %mul3A_254, %add3A_265 : i32
          %get3A_267 = arith.index_cast %add3A_266 : i32 to index
          %get3A_268 = tpu.vector_load %arg7[%get3A_267] {strides = array<i32>} : memref<65536xi32, #tpu.memory_space<vmem>>, vector<16xi32>,
          %bitcast3A_269 = vector.bitcast %get3A_268 : vector<16xi32> to vector<32xbf16>
          %add3A_270 = arith.constant 48 : i32
          %add3A_271 = arith.addi %mul3A_254, %add3A_270 : i32
          %get3A_272 = arith.index_cast %add3A_271 : i32 to index
          %get3A_273 = tpu.vector_load %arg7[%get3A_272] {strides = array<i32>} : memref<65536xi32, #tpu.memory_space<vmem>>, vector<16xi32>,
          %bitcast3A_274 = vector.bitcast %get3A_273 : vector<16xi32> to vector<32xbf16>
          %add3A_275 = arith.addf %bitcast3A, %bitcast3A_259 : vector<32xbf16>
          %add3A_276 = arith.addf %bitcast3A_216, %bitcast3A_264 : vector<32xbf16>
          %add3A_277 = arith.addf %bitcast3A_221, %bitcast3A_269 : vector<32xbf16>
          %add3A_278 = arith.addf %bitcast3A_226, %bitcast3A_274 : vector<32xbf16>
          %slice3A_279 = vector.extract_strided_slice %and3A_203 {offsets = [3], sizes = [1], strides = [1]} : vector<16xi32> to vector<1xi32>
          %squeeze3A_280 = vector.extract %slice3A_279[0] : i32 from vector<1xi32>
          %mul3A_281 = arith.constant 64 : i32
          %mul3A_282 = arith.muli %squeeze3A_280, %mul3A_281 : i32
          %add3A_283 = arith.constant 0 : i32
          %add3A_284 = arith.addi %mul3A_282, %add3A_283 : i32
          %get3A_285 = arith.index_cast %add3A_284 : i32 to index
          %get3A_286 = tpu.vector_load %arg7[%get3A_285] {strides = array<i32>} : memref<65536xi32, #tpu.memory_space<vmem>>, vector<16xi32>,
          %bitcast3A_287 = vector.bitcast %get3A_286 : vector<16xi32> to vector<32xbf16>
          %add3A_288 = arith.constant 16 : i32
          %add3A_289 = arith.addi %mul3A_282, %add3A_288 : i32
          %get3A_290 = arith.index_cast %add3A_289 : i32 to index
          %get3A_291 = tpu.vector_load %arg7[%get3A_290] {strides = array<i32>} : memref<65536xi32, #tpu.memory_space<vmem>>, vector<16xi32>,
          %bitcast3A_292 = vector.bitcast %get3A_291 : vector<16xi32> to vector<32xbf16>
          %add3A_293 = arith.constant 32 : i32
          %add3A_294 = arith.addi %mul3A_282, %add3A_293 : i32
          %get3A_295 = arith.index_cast %add3A_294 : i32 to index
          %get3A_296 = tpu.vector_load %arg7[%get3A_295] {strides = array<i32>} : memref<65536xi32, #tpu.memory_space<vmem>>, vector<16xi32>,
          %bitcast3A_297 = vector.bitcast %get3A_296 : vector<16xi32> to vector<32xbf16>
          %add3A_298 = arith.constant 48 : i32
          %add3A_299 = arith.addi %mul3A_282, %add3A_298 : i32
          %get3A_300 = arith.index_cast %add3A_299 : i32 to index
          %get3A_301 = tpu.vector_load %arg7[%get3A_300] {strides = array<i32>} : memref<65536xi32, #tpu.memory_space<vmem>>, vector<16xi32>,
          %bitcast3A_302 = vector.bitcast %get3A_301 : vector<16xi32> to vector<32xbf16>
          %add3A_303 = arith.addf %bitcast3A_235, %bitcast3A_287 : vector<32xbf16>
          %add3A_304 = arith.addf %bitcast3A_240, %bitcast3A_292 : vector<32xbf16>
          %add3A_305 = arith.addf %bitcast3A_245, %bitcast3A_297 : vector<32xbf16>
          %add3A_306 = arith.addf %bitcast3A_250, %bitcast3A_302 : vector<32xbf16>
          %slice3A_307 = vector.extract_strided_slice %and3A_203 {offsets = [4], sizes = [1], strides = [1]} : vector<16xi32> to vector<1xi32>
          %squeeze3A_308 = vector.extract %slice3A_307[0] : i32 from vector<1xi32>
          %mul3A_309 = arith.constant 64 : i32
          %mul3A_310 = arith.muli %squeeze3A_308, %mul3A_309 : i32
          %add3A_311 = arith.constant 0 : i32
          %add3A_312 = arith.addi %mul3A_310, %add3A_311 : i32
          %get3A_313 = arith.index_cast %add3A_312 : i32 to index
          %get3A_314 = tpu.vector_load %arg7[%get3A_313] {strides = array<i32>} : memref<65536xi32, #tpu.memory_space<vmem>>, vector<16xi32>,
          %bitcast3A_315 = vector.bitcast %get3A_314 : vector<16xi32> to vector<32xbf16>
          %add3A_316 = arith.constant 16 : i32
          %add3A_317 = arith.addi %mul3A_310, %add3A_316 : i32
          %get3A_318 = arith.index_cast %add3A_317 : i32 to index
          %get3A_319 = tpu.vector_load %arg7[%get3A_318] {strides = array<i32>} : memref<65536xi32, #tpu.memory_space<vmem>>, vector<16xi32>,
          %bitcast3A_320 = vector.bitcast %get3A_319 : vector<16xi32> to vector<32xbf16>
          %add3A_321 = arith.constant 32 : i32
          %add3A_322 = arith.addi %mul3A_310, %add3A_321 : i32
          %get3A_323 = arith.index_cast %add3A_322 : i32 to index
          %get3A_324 = tpu.vector_load %arg7[%get3A_323] {strides = array<i32>} : memref<65536xi32, #tpu.memory_space<vmem>>, vector<16xi32>,
          %bitcast3A_325 = vector.bitcast %get3A_324 : vector<16xi32> to vector<32xbf16>
          %add3A_326 = arith.constant 48 : i32
          %add3A_327 = arith.addi %mul3A_310, %add3A_326 : i32
          %get3A_328 = arith.index_cast %add3A_327 : i32 to index
          %get3A_329 = tpu.vector_load %arg7[%get3A_328] {strides = array<i32>} : memref<65536xi32, #tpu.memory_space<vmem>>, vector<16xi32>,
          %bitcast3A_330 = vector.bitcast %get3A_329 : vector<16xi32> to vector<32xbf16>
          %add3A_331 = arith.addf %add3A_275, %bitcast3A_315 : vector<32xbf16>
          %add3A_332 = arith.addf %add3A_276, %bitcast3A_320 : vector<32xbf16>
          %add3A_333 = arith.addf %add3A_277, %bitcast3A_325 : vector<32xbf16>
          %add3A_334 = arith.addf %add3A_278, %bitcast3A_330 : vector<32xbf16>
          %slice3A_335 = vector.extract_strided_slice %and3A_203 {offsets = [5], sizes = [1], strides = [1]} : vector<16xi32> to vector<1xi32>
          %squeeze3A_336 = vector.extract %slice3A_335[0] : i32 from vector<1xi32>
          %mul3A_337 = arith.constant 64 : i32
          %mul3A_338 = arith.muli %squeeze3A_336, %mul3A_337 : i32
          %add3A_339 = arith.constant 0 : i32
          %add3A_340 = arith.addi %mul3A_338, %add3A_339 : i32
          %get3A_341 = arith.index_cast %add3A_340 : i32 to index
          %get3A_342 = tpu.vector_load %arg7[%get3A_341] {strides = array<i32>} : memref<65536xi32, #tpu.memory_space<vmem>>, vector<16xi32>,
          %bitcast3A_343 = vector.bitcast %get3A_342 : vector<16xi32> to vector<32xbf16>
          %add3A_344 = arith.constant 16 : i32
          %add3A_345 = arith.addi %mul3A_338, %add3A_344 : i32
          %get3A_346 = arith.index_cast %add3A_345 : i32 to index
          %get3A_347 = tpu.vector_load %arg7[%get3A_346] {strides = array<i32>} : memref<65536xi32, #tpu.memory_space<vmem>>, vector<16xi32>,
          %bitcast3A_348 = vector.bitcast %get3A_347 : vector<16xi32> to vector<32xbf16>
          %add3A_349 = arith.constant 32 : i32
          %add3A_350 = arith.addi %mul3A_338, %add3A_349 : i32
          %get3A_351 = arith.index_cast %add3A_350 : i32 to index
          %get3A_352 = tpu.vector_load %arg7[%get3A_351] {strides = array<i32>} : memref<65536xi32, #tpu.memory_space<vmem>>, vector<16xi32>,
          %bitcast3A_353 = vector.bitcast %get3A_352 : vector<16xi32> to vector<32xbf16>
          %add3A_354 = arith.constant 48 : i32
          %add3A_355 = arith.addi %mul3A_338, %add3A_354 : i32
          %get3A_356 = arith.index_cast %add3A_355 : i32 to index
          %get3A_357 = tpu.vector_load %arg7[%get3A_356] {strides = array<i32>} : memref<65536xi32, #tpu.memory_space<vmem>>, vector<16xi32>,
          %bitcast3A_358 = vector.bitcast %get3A_357 : vector<16xi32> to vector<32xbf16>
          %add3A_359 = arith.addf %add3A_303, %bitcast3A_343 : vector<32xbf16>
          %add3A_360 = arith.addf %add3A_304, %bitcast3A_348 : vector<32xbf16>
          %add3A_361 = arith.addf %add3A_305, %bitcast3A_353 : vector<32xbf16>
          %add3A_362 = arith.addf %add3A_306, %bitcast3A_358 : vector<32xbf16>
          %slice3A_363 = vector.extract_strided_slice %and3A_203 {offsets = [6], sizes = [1], strides = [1]} : vector<16xi32> to vector<1xi32>
          %squeeze3A_364 = vector.extract %slice3A_363[0] : i32 from vector<1xi32>
          %mul3A_365 = arith.constant 64 : i32
          %mul3A_366 = arith.muli %squeeze3A_364, %mul3A_365 : i32
          %add3A_367 = arith.constant 0 : i32
          %add3A_368 = arith.addi %mul3A_366, %add3A_367 : i32
          %get3A_369 = arith.index_cast %add3A_368 : i32 to index
          %get3A_370 = tpu.vector_load %arg7[%get3A_369] {strides = array<i32>} : memref<65536xi32, #tpu.memory_space<vmem>>, vector<16xi32>,
          %bitcast3A_371 = vector.bitcast %get3A_370 : vector<16xi32> to vector<32xbf16>
          %add3A_372 = arith.constant 16 : i32
          %add3A_373 = arith.addi %mul3A_366, %add3A_372 : i32
          %get3A_374 = arith.index_cast %add3A_373 : i32 to index
          %get3A_375 = tpu.vector_load %arg7[%get3A_374] {strides = array<i32>} : memref<65536xi32, #tpu.memory_space<vmem>>, vector<16xi32>,
          %bitcast3A_376 = vector.bitcast %get3A_375 : vector<16xi32> to vector<32xbf16>
          %add3A_377 = arith.constant 32 : i32
          %add3A_378 = arith.addi %mul3A_366, %add3A_377 : i32
          %get3A_379 = arith.index_cast %add3A_378 : i32 to index
          %get3A_380 = tpu.vector_load %arg7[%get3A_379] {strides = array<i32>} : memref<65536xi32, #tpu.memory_space<vmem>>, vector<16xi32>,
          %bitcast3A_381 = vector.bitcast %get3A_380 : vector<16xi32> to vector<32xbf16>
          %add3A_382 = arith.constant 48 : i32
          %add3A_383 = arith.addi %mul3A_366, %add3A_382 : i32
          %get3A_384 = arith.index_cast %add3A_383 : i32 to index
          %get3A_385 = tpu.vector_load %arg7[%get3A_384] {strides = array<i32>} : memref<65536xi32, #tpu.memory_space<vmem>>, vector<16xi32>,
          %bitcast3A_386 = vector.bitcast %get3A_385 : vector<16xi32> to vector<32xbf16>
          %add3A_387 = arith.addf %add3A_331, %bitcast3A_371 : vector<32xbf16>
          %add3A_388 = arith.addf %add3A_332, %bitcast3A_376 : vector<32xbf16>
          %add3A_389 = arith.addf %add3A_333, %bitcast3A_381 : vector<32xbf16>
          %add3A_390 = arith.addf %add3A_334, %bitcast3A_386 : vector<32xbf16>
          %slice3A_391 = vector.extract_strided_slice %and3A_203 {offsets = [7], sizes = [1], strides = [1]} : vector<16xi32> to vector<1xi32>
          %squeeze3A_392 = vector.extract %slice3A_391[0] : i32 from vector<1xi32>
          %mul3A_393 = arith.constant 64 : i32
          %mul3A_394 = arith.muli %squeeze3A_392, %mul3A_393 : i32
          %add3A_395 = arith.constant 0 : i32
          %add3A_396 = arith.addi %mul3A_394, %add3A_395 : i32
          %get3A_397 = arith.index_cast %add3A_396 : i32 to index
          %get3A_398 = tpu.vector_load %arg7[%get3A_397] {strides = array<i32>} : memref<65536xi32, #tpu.memory_space<vmem>>, vector<16xi32>,
          %bitcast3A_399 = vector.bitcast %get3A_398 : vector<16xi32> to vector<32xbf16>
          %add3A_400 = arith.constant 16 : i32
          %add3A_401 = arith.addi %mul3A_394, %add3A_400 : i32
          %get3A_402 = arith.index_cast %add3A_401 : i32 to index
          %get3A_403 = tpu.vector_load %arg7[%get3A_402] {strides = array<i32>} : memref<65536xi32, #tpu.memory_space<vmem>>, vector<16xi32>,
          %bitcast3A_404 = vector.bitcast %get3A_403 : vector<16xi32> to vector<32xbf16>
          %add3A_405 = arith.constant 32 : i32
          %add3A_406 = arith.addi %mul3A_394, %add3A_405 : i32
          %get3A_407 = arith.index_cast %add3A_406 : i32 to index
          %get3A_408 = tpu.vector_load %arg7[%get3A_407] {strides = array<i32>} : memref<65536xi32, #tpu.memory_space<vmem>>, vector<16xi32>,
          %bitcast3A_409 = vector.bitcast %get3A_408 : vector<16xi32> to vector<32xbf16>
          %add3A_410 = arith.constant 48 : i32
          %add3A_411 = arith.addi %mul3A_394, %add3A_410 : i32
          %get3A_412 = arith.index_cast %add3A_411 : i32 to index
          %get3A_413 = tpu.vector_load %arg7[%get3A_412] {strides = array<i32>} : memref<65536xi32, #tpu.memory_space<vmem>>, vector<16xi32>,
          %bitcast3A_414 = vector.bitcast %get3A_413 : vector<16xi32> to vector<32xbf16>
          %add3A_415 = arith.addf %add3A_359, %bitcast3A_399 : vector<32xbf16>
          %add3A_416 = arith.addf %add3A_360, %bitcast3A_404 : vector<32xbf16>
          %add3A_417 = arith.addf %add3A_361, %bitcast3A_409 : vector<32xbf16>
          %add3A_418 = arith.addf %add3A_362, %bitcast3A_414 : vector<32xbf16>
          %add3A_419 = arith.addf %add3A_387, %add3A_415 : vector<32xbf16>
          %add3A_420 = arith.addf %add3A_388, %add3A_416 : vector<32xbf16>
          %add3A_421 = arith.addf %add3A_389, %add3A_417 : vector<32xbf16>
          %add3A_422 = arith.addf %add3A_390, %add3A_418 : vector<32xbf16>
          %bitcast3A_423 = vector.bitcast %add3A_419 : vector<32xbf16> to vector<16xi32>
          %shift_left3A = arith.constant 16 : i32
          %shift_left3A_424 = vector.broadcast %shift_left3A : i32 to vector<16xi32>
          %shift_left3A_425 = arith.shli %bitcast3A_423, %shift_left3A_424 : vector<16xi32>
          %bitcast_convert_type3A = tpu.bitcast %shift_left3A_425 : vector<16xi32> -> vector<16xf32>
          %and3A_426 = vector.broadcast %scan3A_139 : i32 to vector<16xi32>
          %and3A_427 = arith.andi %bitcast3A_423, %and3A_426 : vector<16xi32>
          %bitcast_convert_type3A_428 = tpu.bitcast %and3A_427 : vector<16xi32> -> vector<16xf32>
          %swap3A = arith.index_cast %mul3A_205 : i32 to index
          %swap3A_429 = arith.constant 0 : index
          %swap3A_430 = tpu.vector_load %arg8[%swap3A, %swap3A_429] {strides = array<i32>} : memref<128x128xf32, #tpu.memory_space<vmem>>, vector<16xf32>,
          tpu.vector_store %arg8[%swap3A, %swap3A_429], %bitcast_convert_type3A {strides = array<i32>} : memref<128x128xf32, #tpu.memory_space<vmem>>, vector<16xf32>,
          %swap3A_431 = arith.index_cast %mul3A_205 : i32 to index
          %swap3A_432 = arith.constant 16 : index
          %swap3A_433 = tpu.vector_load %arg8[%swap3A_431, %swap3A_432] {strides = array<i32>} : memref<128x128xf32, #tpu.memory_space<vmem>>, vector<16xf32>,
          tpu.vector_store %arg8[%swap3A_431, %swap3A_432], %bitcast_convert_type3A_428 {strides = array<i32>} : memref<128x128xf32, #tpu.memory_space<vmem>>, vector<16xf32>,
          %bitcast3A_434 = vector.bitcast %add3A_420 : vector<32xbf16> to vector<16xi32>
          %shift_left3A_435 = arith.constant 16 : i32
          %shift_left3A_436 = vector.broadcast %shift_left3A_435 : i32 to vector<16xi32>
          %shift_left3A_437 = arith.shli %bitcast3A_434, %shift_left3A_436 : vector<16xi32>
          %bitcast_convert_type3A_438 = tpu.bitcast %shift_left3A_437 : vector<16xi32> -> vector<16xf32>
          %and3A_439 = vector.broadcast %scan3A_139 : i32 to vector<16xi32>
          %and3A_440 = arith.andi %bitcast3A_434, %and3A_439 : vector<16xi32>
          %bitcast_convert_type3A_441 = tpu.bitcast %and3A_440 : vector<16xi32> -> vector<16xf32>
          %swap3A_442 = arith.index_cast %mul3A_205 : i32 to index
          %swap3A_443 = arith.constant 32 : index
          %swap3A_444 = tpu.vector_load %arg8[%swap3A_442, %swap3A_443] {strides = array<i32>} : memref<128x128xf32, #tpu.memory_space<vmem>>, vector<16xf32>,
          tpu.vector_store %arg8[%swap3A_442, %swap3A_443], %bitcast_convert_type3A_438 {strides = array<i32>} : memref<128x128xf32, #tpu.memory_space<vmem>>, vector<16xf32>,
          %swap3A_445 = arith.index_cast %mul3A_205 : i32 to index
          %swap3A_446 = arith.constant 48 : index
          %swap3A_447 = tpu.vector_load %arg8[%swap3A_445, %swap3A_446] {strides = array<i32>} : memref<128x128xf32, #tpu.memory_space<vmem>>, vector<16xf32>,
          tpu.vector_store %arg8[%swap3A_445, %swap3A_446], %bitcast_convert_type3A_441 {strides = array<i32>} : memref<128x128xf32, #tpu.memory_space<vmem>>, vector<16xf32>,
          %bitcast3A_448 = vector.bitcast %add3A_421 : vector<32xbf16> to vector<16xi32>
          %shift_left3A_449 = arith.constant 16 : i32
          %shift_left3A_450 = vector.broadcast %shift_left3A_449 : i32 to vector<16xi32>
          %shift_left3A_451 = arith.shli %bitcast3A_448, %shift_left3A_450 : vector<16xi32>
          %bitcast_convert_type3A_452 = tpu.bitcast %shift_left3A_451 : vector<16xi32> -> vector<16xf32>
          %and3A_453 = vector.broadcast %scan3A_139 : i32 to vector<16xi32>
          %and3A_454 = arith.andi %bitcast3A_448, %and3A_453 : vector<16xi32>
          %bitcast_convert_type3A_455 = tpu.bitcast %and3A_454 : vector<16xi32> -> vector<16xf32>
          %swap3A_456 = arith.index_cast %mul3A_205 : i32 to index
          %swap3A_457 = arith.constant 64 : index
          %swap3A_458 = tpu.vector_load %arg8[%swap3A_456, %swap3A_457] {strides = array<i32>} : memref<128x128xf32, #tpu.memory_space<vmem>>, vector<16xf32>,
          tpu.vector_store %arg8[%swap3A_456, %swap3A_457], %bitcast_convert_type3A_452 {strides = array<i32>} : memref<128x128xf32, #tpu.memory_space<vmem>>, vector<16xf32>,
          %swap3A_459 = arith.index_cast %mul3A_205 : i32 to index
          %swap3A_460 = arith.constant 80 : index
          %swap3A_461 = tpu.vector_load %arg8[%swap3A_459, %swap3A_460] {strides = array<i32>} : memref<128x128xf32, #tpu.memory_space<vmem>>, vector<16xf32>,
          tpu.vector_store %arg8[%swap3A_459, %swap3A_460], %bitcast_convert_type3A_455 {strides = array<i32>} : memref<128x128xf32, #tpu.memory_space<vmem>>, vector<16xf32>,
          %bitcast3A_462 = vector.bitcast %add3A_422 : vector<32xbf16> to vector<16xi32>
          %shift_left3A_463 = arith.constant 16 : i32
          %shift_left3A_464 = vector.broadcast %shift_left3A_463 : i32 to vector<16xi32>
          %shift_left3A_465 = arith.shli %bitcast3A_462, %shift_left3A_464 : vector<16xi32>
          %bitcast_convert_type3A_466 = tpu.bitcast %shift_left3A_465 : vector<16xi32> -> vector<16xf32>
          %and3A_467 = vector.broadcast %scan3A_139 : i32 to vector<16xi32>
          %and3A_468 = arith.andi %bitcast3A_462, %and3A_467 : vector<16xi32>
          %bitcast_convert_type3A_469 = tpu.bitcast %and3A_468 : vector<16xi32> -> vector<16xf32>
          %swap3A_470 = arith.index_cast %mul3A_205 : i32 to index
          %swap3A_471 = arith.constant 96 : index
          %swap3A_472 = tpu.vector_load %arg8[%swap3A_470, %swap3A_471] {strides = array<i32>} : memref<128x128xf32, #tpu.memory_space<vmem>>, vector<16xf32>,
          tpu.vector_store %arg8[%swap3A_470, %swap3A_471], %bitcast_convert_type3A_466 {strides = array<i32>} : memref<128x128xf32, #tpu.memory_space<vmem>>, vector<16xf32>,
          %swap3A_473 = arith.index_cast %mul3A_205 : i32 to index
          %swap3A_474 = arith.constant 112 : index
          %swap3A_475 = tpu.vector_load %arg8[%swap3A_473, %swap3A_474] {strides = array<i32>} : memref<128x128xf32, #tpu.memory_space<vmem>>, vector<16xf32>,
          tpu.vector_store %arg8[%swap3A_473, %swap3A_474], %bitcast_convert_type3A_469 {strides = array<i32>} : memref<128x128xf32, #tpu.memory_space<vmem>>, vector<16xf32>,
          %mul3A_476 = arith.constant 2 : i32
          %mul3A_477 = arith.muli %mul3A_476, %scan3A_197 : i32
          %add3A_478 = arith.constant 1 : i32
          %add3A_479 = arith.addi %mul3A_477, %add3A_478 : i32
          %slice3A_480 = vector.extract_strided_slice %and3A_203 {offsets = [8], sizes = [1], strides = [1]} : vector<16xi32> to vector<1xi32>
          %squeeze3A_481 = vector.extract %slice3A_480[0] : i32 from vector<1xi32>
          %mul3A_482 = arith.constant 64 : i32
          %mul3A_483 = arith.muli %squeeze3A_481, %mul3A_482 : i32
          %add3A_484 = arith.constant 0 : i32
          %add3A_485 = arith.addi %mul3A_483, %add3A_484 : i32
          %get3A_486 = arith.index_cast %add3A_485 : i32 to index
          %get3A_487 = tpu.vector_load %arg7[%get3A_486] {strides = array<i32>} : memref<65536xi32, #tpu.memory_space<vmem>>, vector<16xi32>,
          %bitcast3A_488 = vector.bitcast %get3A_487 : vector<16xi32> to vector<32xbf16>
          %add3A_489 = arith.constant 16 : i32
          %add3A_490 = arith.addi %mul3A_483, %add3A_489 : i32
          %get3A_491 = arith.index_cast %add3A_490 : i32 to index
          %get3A_492 = tpu.vector_load %arg7[%get3A_491] {strides = array<i32>} : memref<65536xi32, #tpu.memory_space<vmem>>, vector<16xi32>,
          %bitcast3A_493 = vector.bitcast %get3A_492 : vector<16xi32> to vector<32xbf16>
          %add3A_494 = arith.constant 32 : i32
          %add3A_495 = arith.addi %mul3A_483, %add3A_494 : i32
          %get3A_496 = arith.index_cast %add3A_495 : i32 to index
          %get3A_497 = tpu.vector_load %arg7[%get3A_496] {strides = array<i32>} : memref<65536xi32, #tpu.memory_space<vmem>>, vector<16xi32>,
          %bitcast3A_498 = vector.bitcast %get3A_497 : vector<16xi32> to vector<32xbf16>
          %add3A_499 = arith.constant 48 : i32
          %add3A_500 = arith.addi %mul3A_483, %add3A_499 : i32
          %get3A_501 = arith.index_cast %add3A_500 : i32 to index
          %get3A_502 = tpu.vector_load %arg7[%get3A_501] {strides = array<i32>} : memref<65536xi32, #tpu.memory_space<vmem>>, vector<16xi32>,
          %bitcast3A_503 = vector.bitcast %get3A_502 : vector<16xi32> to vector<32xbf16>
          %slice3A_504 = vector.extract_strided_slice %and3A_203 {offsets = [9], sizes = [1], strides = [1]} : vector<16xi32> to vector<1xi32>
          %squeeze3A_505 = vector.extract %slice3A_504[0] : i32 from vector<1xi32>
          %mul3A_506 = arith.constant 64 : i32
          %mul3A_507 = arith.muli %squeeze3A_505, %mul3A_506 : i32
          %add3A_508 = arith.constant 0 : i32
          %add3A_509 = arith.addi %mul3A_507, %add3A_508 : i32
          %get3A_510 = arith.index_cast %add3A_509 : i32 to index
          %get3A_511 = tpu.vector_load %arg7[%get3A_510] {strides = array<i32>} : memref<65536xi32, #tpu.memory_space<vmem>>, vector<16xi32>,
          %bitcast3A_512 = vector.bitcast %get3A_511 : vector<16xi32> to vector<32xbf16>
          %add3A_513 = arith.constant 16 : i32
          %add3A_514 = arith.addi %mul3A_507, %add3A_513 : i32
          %get3A_515 = arith.index_cast %add3A_514 : i32 to index
          %get3A_516 = tpu.vector_load %arg7[%get3A_515] {strides = array<i32>} : memref<65536xi32, #tpu.memory_space<vmem>>, vector<16xi32>,
          %bitcast3A_517 = vector.bitcast %get3A_516 : vector<16xi32> to vector<32xbf16>
          %add3A_518 = arith.constant 32 : i32
          %add3A_519 = arith.addi %mul3A_507, %add3A_518 : i32
          %get3A_520 = arith.index_cast %add3A_519 : i32 to index
          %get3A_521 = tpu.vector_load %arg7[%get3A_520] {strides = array<i32>} : memref<65536xi32, #tpu.memory_space<vmem>>, vector<16xi32>,
          %bitcast3A_522 = vector.bitcast %get3A_521 : vector<16xi32> to vector<32xbf16>
          %add3A_523 = arith.constant 48 : i32
          %add3A_524 = arith.addi %mul3A_507, %add3A_523 : i32
          %get3A_525 = arith.index_cast %add3A_524 : i32 to index
          %get3A_526 = tpu.vector_load %arg7[%get3A_525] {strides = array<i32>} : memref<65536xi32, #tpu.memory_space<vmem>>, vector<16xi32>,
          %bitcast3A_527 = vector.bitcast %get3A_526 : vector<16xi32> to vector<32xbf16>
          %slice3A_528 = vector.extract_strided_slice %and3A_203 {offsets = [10], sizes = [1], strides = [1]} : vector<16xi32> to vector<1xi32>
          %squeeze3A_529 = vector.extract %slice3A_528[0] : i32 from vector<1xi32>
          %mul3A_530 = arith.constant 64 : i32
          %mul3A_531 = arith.muli %squeeze3A_529, %mul3A_530 : i32
          %add3A_532 = arith.constant 0 : i32
          %add3A_533 = arith.addi %mul3A_531, %add3A_532 : i32
          %get3A_534 = arith.index_cast %add3A_533 : i32 to index
          %get3A_535 = tpu.vector_load %arg7[%get3A_534] {strides = array<i32>} : memref<65536xi32, #tpu.memory_space<vmem>>, vector<16xi32>,
          %bitcast3A_536 = vector.bitcast %get3A_535 : vector<16xi32> to vector<32xbf16>
          %add3A_537 = arith.constant 16 : i32
          %add3A_538 = arith.addi %mul3A_531, %add3A_537 : i32
          %get3A_539 = arith.index_cast %add3A_538 : i32 to index
          %get3A_540 = tpu.vector_load %arg7[%get3A_539] {strides = array<i32>} : memref<65536xi32, #tpu.memory_space<vmem>>, vector<16xi32>,
          %bitcast3A_541 = vector.bitcast %get3A_540 : vector<16xi32> to vector<32xbf16>
          %add3A_542 = arith.constant 32 : i32
          %add3A_543 = arith.addi %mul3A_531, %add3A_542 : i32
          %get3A_544 = arith.index_cast %add3A_543 : i32 to index
          %get3A_545 = tpu.vector_load %arg7[%get3A_544] {strides = array<i32>} : memref<65536xi32, #tpu.memory_space<vmem>>, vector<16xi32>,
          %bitcast3A_546 = vector.bitcast %get3A_545 : vector<16xi32> to vector<32xbf16>
          %add3A_547 = arith.constant 48 : i32
          %add3A_548 = arith.addi %mul3A_531, %add3A_547 : i32
          %get3A_549 = arith.index_cast %add3A_548 : i32 to index
          %get3A_550 = tpu.vector_load %arg7[%get3A_549] {strides = array<i32>} : memref<65536xi32, #tpu.memory_space<vmem>>, vector<16xi32>,
          %bitcast3A_551 = vector.bitcast %get3A_550 : vector<16xi32> to vector<32xbf16>
          %add3A_552 = arith.addf %bitcast3A_488, %bitcast3A_536 : vector<32xbf16>
          %add3A_553 = arith.addf %bitcast3A_493, %bitcast3A_541 : vector<32xbf16>
          %add3A_554 = arith.addf %bitcast3A_498, %bitcast3A_546 : vector<32xbf16>
          %add3A_555 = arith.addf %bitcast3A_503, %bitcast3A_551 : vector<32xbf16>
          %slice3A_556 = vector.extract_strided_slice %and3A_203 {offsets = [11], sizes = [1], strides = [1]} : vector<16xi32> to vector<1xi32>
          %squeeze3A_557 = vector.extract %slice3A_556[0] : i32 from vector<1xi32>
          %mul3A_558 = arith.constant 64 : i32
          %mul3A_559 = arith.muli %squeeze3A_557, %mul3A_558 : i32
          %add3A_560 = arith.constant 0 : i32
          %add3A_561 = arith.addi %mul3A_559, %add3A_560 : i32
          %get3A_562 = arith.index_cast %add3A_561 : i32 to index
          %get3A_563 = tpu.vector_load %arg7[%get3A_562] {strides = array<i32>} : memref<65536xi32, #tpu.memory_space<vmem>>, vector<16xi32>,
          %bitcast3A_564 = vector.bitcast %get3A_563 : vector<16xi32> to vector<32xbf16>
          %add3A_565 = arith.constant 16 : i32
          %add3A_566 = arith.addi %mul3A_559, %add3A_565 : i32
          %get3A_567 = arith.index_cast %add3A_566 : i32 to index
          %get3A_568 = tpu.vector_load %arg7[%get3A_567] {strides = array<i32>} : memref<65536xi32, #tpu.memory_space<vmem>>, vector<16xi32>,
          %bitcast3A_569 = vector.bitcast %get3A_568 : vector<16xi32> to vector<32xbf16>
          %add3A_570 = arith.constant 32 : i32
          %add3A_571 = arith.addi %mul3A_559, %add3A_570 : i32
          %get3A_572 = arith.index_cast %add3A_571 : i32 to index
          %get3A_573 = tpu.vector_load %arg7[%get3A_572] {strides = array<i32>} : memref<65536xi32, #tpu.memory_space<vmem>>, vector<16xi32>,
          %bitcast3A_574 = vector.bitcast %get3A_573 : vector<16xi32> to vector<32xbf16>
          %add3A_575 = arith.constant 48 : i32
          %add3A_576 = arith.addi %mul3A_559, %add3A_575 : i32
          %get3A_577 = arith.index_cast %add3A_576 : i32 to index
          %get3A_578 = tpu.vector_load %arg7[%get3A_577] {strides = array<i32>} : memref<65536xi32, #tpu.memory_space<vmem>>, vector<16xi32>,
          %bitcast3A_579 = vector.bitcast %get3A_578 : vector<16xi32> to vector<32xbf16>
          %add3A_580 = arith.addf %bitcast3A_512, %bitcast3A_564 : vector<32xbf16>
          %add3A_581 = arith.addf %bitcast3A_517, %bitcast3A_569 : vector<32xbf16>
          %add3A_582 = arith.addf %bitcast3A_522, %bitcast3A_574 : vector<32xbf16>
          %add3A_583 = arith.addf %bitcast3A_527, %bitcast3A_579 : vector<32xbf16>
          %slice3A_584 = vector.extract_strided_slice %and3A_203 {offsets = [12], sizes = [1], strides = [1]} : vector<16xi32> to vector<1xi32>
          %squeeze3A_585 = vector.extract %slice3A_584[0] : i32 from vector<1xi32>
          %mul3A_586 = arith.constant 64 : i32
          %mul3A_587 = arith.muli %squeeze3A_585, %mul3A_586 : i32
          %add3A_588 = arith.constant 0 : i32
          %add3A_589 = arith.addi %mul3A_587, %add3A_588 : i32
          %get3A_590 = arith.index_cast %add3A_589 : i32 to index
          %get3A_591 = tpu.vector_load %arg7[%get3A_590] {strides = array<i32>} : memref<65536xi32, #tpu.memory_space<vmem>>, vector<16xi32>,
          %bitcast3A_592 = vector.bitcast %get3A_591 : vector<16xi32> to vector<32xbf16>
          %add3A_593 = arith.constant 16 : i32
          %add3A_594 = arith.addi %mul3A_587, %add3A_593 : i32
          %get3A_595 = arith.index_cast %add3A_594 : i32 to index
          %get3A_596 = tpu.vector_load %arg7[%get3A_595] {strides = array<i32>} : memref<65536xi32, #tpu.memory_space<vmem>>, vector<16xi32>,
          %bitcast3A_597 = vector.bitcast %get3A_596 : vector<16xi32> to vector<32xbf16>
          %add3A_598 = arith.constant 32 : i32
          %add3A_599 = arith.addi %mul3A_587, %add3A_598 : i32
          %get3A_600 = arith.index_cast %add3A_599 : i32 to index
          %get3A_601 = tpu.vector_load %arg7[%get3A_600] {strides = array<i32>} : memref<65536xi32, #tpu.memory_space<vmem>>, vector<16xi32>,
          %bitcast3A_602 = vector.bitcast %get3A_601 : vector<16xi32> to vector<32xbf16>
          %add3A_603 = arith.constant 48 : i32
          %add3A_604 = arith.addi %mul3A_587, %add3A_603 : i32
          %get3A_605 = arith.index_cast %add3A_604 : i32 to index
          %get3A_606 = tpu.vector_load %arg7[%get3A_605] {strides = array<i32>} : memref<65536xi32, #tpu.memory_space<vmem>>, vector<16xi32>,
          %bitcast3A_607 = vector.bitcast %get3A_606 : vector<16xi32> to vector<32xbf16>
          %add3A_608 = arith.addf %add3A_552, %bitcast3A_592 : vector<32xbf16>
          %add3A_609 = arith.addf %add3A_553, %bitcast3A_597 : vector<32xbf16>
          %add3A_610 = arith.addf %add3A_554, %bitcast3A_602 : vector<32xbf16>
          %add3A_611 = arith.addf %add3A_555, %bitcast3A_607 : vector<32xbf16>
          %slice3A_612 = vector.extract_strided_slice %and3A_203 {offsets = [13], sizes = [1], strides = [1]} : vector<16xi32> to vector<1xi32>
          %squeeze3A_613 = vector.extract %slice3A_612[0] : i32 from vector<1xi32>
          %mul3A_614 = arith.constant 64 : i32
          %mul3A_615 = arith.muli %squeeze3A_613, %mul3A_614 : i32
          %add3A_616 = arith.constant 0 : i32
          %add3A_617 = arith.addi %mul3A_615, %add3A_616 : i32
          %get3A_618 = arith.index_cast %add3A_617 : i32 to index
          %get3A_619 = tpu.vector_load %arg7[%get3A_618] {strides = array<i32>} : memref<65536xi32, #tpu.memory_space<vmem>>, vector<16xi32>,
          %bitcast3A_620 = vector.bitcast %get3A_619 : vector<16xi32> to vector<32xbf16>
          %add3A_621 = arith.constant 16 : i32
          %add3A_622 = arith.addi %mul3A_615, %add3A_621 : i32
          %get3A_623 = arith.index_cast %add3A_622 : i32 to index
          %get3A_624 = tpu.vector_load %arg7[%get3A_623] {strides = array<i32>} : memref<65536xi32, #tpu.memory_space<vmem>>, vector<16xi32>,
          %bitcast3A_625 = vector.bitcast %get3A_624 : vector<16xi32> to vector<32xbf16>
          %add3A_626 = arith.constant 32 : i32
          %add3A_627 = arith.addi %mul3A_615, %add3A_626 : i32
          %get3A_628 = arith.index_cast %add3A_627 : i32 to index
          %get3A_629 = tpu.vector_load %arg7[%get3A_628] {strides = array<i32>} : memref<65536xi32, #tpu.memory_space<vmem>>, vector<16xi32>,
          %bitcast3A_630 = vector.bitcast %get3A_629 : vector<16xi32> to vector<32xbf16>
          %add3A_631 = arith.constant 48 : i32
          %add3A_632 = arith.addi %mul3A_615, %add3A_631 : i32
          %get3A_633 = arith.index_cast %add3A_632 : i32 to index
          %get3A_634 = tpu.vector_load %arg7[%get3A_633] {strides = array<i32>} : memref<65536xi32, #tpu.memory_space<vmem>>, vector<16xi32>,
          %bitcast3A_635 = vector.bitcast %get3A_634 : vector<16xi32> to vector<32xbf16>
          %add3A_636 = arith.addf %add3A_580, %bitcast3A_620 : vector<32xbf16>
          %add3A_637 = arith.addf %add3A_581, %bitcast3A_625 : vector<32xbf16>
          %add3A_638 = arith.addf %add3A_582, %bitcast3A_630 : vector<32xbf16>
          %add3A_639 = arith.addf %add3A_583, %bitcast3A_635 : vector<32xbf16>
          %slice3A_640 = vector.extract_strided_slice %and3A_203 {offsets = [14], sizes = [1], strides = [1]} : vector<16xi32> to vector<1xi32>
          %squeeze3A_641 = vector.extract %slice3A_640[0] : i32 from vector<1xi32>
          %mul3A_642 = arith.constant 64 : i32
          %mul3A_643 = arith.muli %squeeze3A_641, %mul3A_642 : i32
          %add3A_644 = arith.constant 0 : i32
          %add3A_645 = arith.addi %mul3A_643, %add3A_644 : i32
          %get3A_646 = arith.index_cast %add3A_645 : i32 to index
          %get3A_647 = tpu.vector_load %arg7[%get3A_646] {strides = array<i32>} : memref<65536xi32, #tpu.memory_space<vmem>>, vector<16xi32>,
          %bitcast3A_648 = vector.bitcast %get3A_647 : vector<16xi32> to vector<32xbf16>
          %add3A_649 = arith.constant 16 : i32
          %add3A_650 = arith.addi %mul3A_643, %add3A_649 : i32
          %get3A_651 = arith.index_cast %add3A_650 : i32 to index
          %get3A_652 = tpu.vector_load %arg7[%get3A_651] {strides = array<i32>} : memref<65536xi32, #tpu.memory_space<vmem>>, vector<16xi32>,
          %bitcast3A_653 = vector.bitcast %get3A_652 : vector<16xi32> to vector<32xbf16>
          %add3A_654 = arith.constant 32 : i32
          %add3A_655 = arith.addi %mul3A_643, %add3A_654 : i32
          %get3A_656 = arith.index_cast %add3A_655 : i32 to index
          %get3A_657 = tpu.vector_load %arg7[%get3A_656] {strides = array<i32>} : memref<65536xi32, #tpu.memory_space<vmem>>, vector<16xi32>,
          %bitcast3A_658 = vector.bitcast %get3A_657 : vector<16xi32> to vector<32xbf16>
          %add3A_659 = arith.constant 48 : i32
          %add3A_660 = arith.addi %mul3A_643, %add3A_659 : i32
          %get3A_661 = arith.index_cast %add3A_660 : i32 to index
          %get3A_662 = tpu.vector_load %arg7[%get3A_661] {strides = array<i32>} : memref<65536xi32, #tpu.memory_space<vmem>>, vector<16xi32>,
          %bitcast3A_663 = vector.bitcast %get3A_662 : vector<16xi32> to vector<32xbf16>
          %add3A_664 = arith.addf %add3A_608, %bitcast3A_648 : vector<32xbf16>
          %add3A_665 = arith.addf %add3A_609, %bitcast3A_653 : vector<32xbf16>
          %add3A_666 = arith.addf %add3A_610, %bitcast3A_658 : vector<32xbf16>
          %add3A_667 = arith.addf %add3A_611, %bitcast3A_663 : vector<32xbf16>
          %slice3A_668 = vector.extract_strided_slice %and3A_203 {offsets = [15], sizes = [1], strides = [1]} : vector<16xi32> to vector<1xi32>
          %squeeze3A_669 = vector.extract %slice3A_668[0] : i32 from vector<1xi32>
          %mul3A_670 = arith.constant 64 : i32
          %mul3A_671 = arith.muli %squeeze3A_669, %mul3A_670 : i32
          %add3A_672 = arith.constant 0 : i32
          %add3A_673 = arith.addi %mul3A_671, %add3A_672 : i32
          %get3A_674 = arith.index_cast %add3A_673 : i32 to index
          %get3A_675 = tpu.vector_load %arg7[%get3A_674] {strides = array<i32>} : memref<65536xi32, #tpu.memory_space<vmem>>, vector<16xi32>,
          %bitcast3A_676 = vector.bitcast %get3A_675 : vector<16xi32> to vector<32xbf16>
          %add3A_677 = arith.constant 16 : i32
          %add3A_678 = arith.addi %mul3A_671, %add3A_677 : i32
          %get3A_679 = arith.index_cast %add3A_678 : i32 to index
          %get3A_680 = tpu.vector_load %arg7[%get3A_679] {strides = array<i32>} : memref<65536xi32, #tpu.memory_space<vmem>>, vector<16xi32>,
          %bitcast3A_681 = vector.bitcast %get3A_680 : vector<16xi32> to vector<32xbf16>
          %add3A_682 = arith.constant 32 : i32
          %add3A_683 = arith.addi %mul3A_671, %add3A_682 : i32
          %get3A_684 = arith.index_cast %add3A_683 : i32 to index
          %get3A_685 = tpu.vector_load %arg7[%get3A_684] {strides = array<i32>} : memref<65536xi32, #tpu.memory_space<vmem>>, vector<16xi32>,
          %bitcast3A_686 = vector.bitcast %get3A_685 : vector<16xi32> to vector<32xbf16>
          %add3A_687 = arith.constant 48 : i32
          %add3A_688 = arith.addi %mul3A_671, %add3A_687 : i32
          %get3A_689 = arith.index_cast %add3A_688 : i32 to index
          %get3A_690 = tpu.vector_load %arg7[%get3A_689] {strides = array<i32>} : memref<65536xi32, #tpu.memory_space<vmem>>, vector<16xi32>,
          %bitcast3A_691 = vector.bitcast %get3A_690 : vector<16xi32> to vector<32xbf16>
          %add3A_692 = arith.addf %add3A_636, %bitcast3A_676 : vector<32xbf16>
          %add3A_693 = arith.addf %add3A_637, %bitcast3A_681 : vector<32xbf16>
          %add3A_694 = arith.addf %add3A_638, %bitcast3A_686 : vector<32xbf16>
          %add3A_695 = arith.addf %add3A_639, %bitcast3A_691 : vector<32xbf16>
          %add3A_696 = arith.addf %add3A_664, %add3A_692 : vector<32xbf16>
          %add3A_697 = arith.addf %add3A_665, %add3A_693 : vector<32xbf16>
          %add3A_698 = arith.addf %add3A_666, %add3A_694 : vector<32xbf16>
          %add3A_699 = arith.addf %add3A_667, %add3A_695 : vector<32xbf16>
          %bitcast3A_700 = vector.bitcast %add3A_696 : vector<32xbf16> to vector<16xi32>
          %shift_left3A_701 = arith.constant 16 : i32
          %shift_left3A_702 = vector.broadcast %shift_left3A_701 : i32 to vector<16xi32>
          %shift_left3A_703 = arith.shli %bitcast3A_700, %shift_left3A_702 : vector<16xi32>
          %bitcast_convert_type3A_704 = tpu.bitcast %shift_left3A_703 : vector<16xi32> -> vector<16xf32>
          %and3A_705 = vector.broadcast %scan3A_139 : i32 to vector<16xi32>
          %and3A_706 = arith.andi %bitcast3A_700, %and3A_705 : vector<16xi32>
          %bitcast_convert_type3A_707 = tpu.bitcast %and3A_706 : vector<16xi32> -> vector<16xf32>
          %swap3A_708 = arith.index_cast %add3A_479 : i32 to index
          %swap3A_709 = arith.constant 0 : index
          %swap3A_710 = tpu.vector_load %arg8[%swap3A_708, %swap3A_709] {strides = array<i32>} : memref<128x128xf32, #tpu.memory_space<vmem>>, vector<16xf32>,
          tpu.vector_store %arg8[%swap3A_708, %swap3A_709], %bitcast_convert_type3A_704 {strides = array<i32>} : memref<128x128xf32, #tpu.memory_space<vmem>>, vector<16xf32>,
          %swap3A_711 = arith.index_cast %add3A_479 : i32 to index
          %swap3A_712 = arith.constant 16 : index
          %swap3A_713 = tpu.vector_load %arg8[%swap3A_711, %swap3A_712] {strides = array<i32>} : memref<128x128xf32, #tpu.memory_space<vmem>>, vector<16xf32>,
          tpu.vector_store %arg8[%swap3A_711, %swap3A_712], %bitcast_convert_type3A_707 {strides = array<i32>} : memref<128x128xf32, #tpu.memory_space<vmem>>, vector<16xf32>,
          %bitcast3A_714 = vector.bitcast %add3A_697 : vector<32xbf16> to vector<16xi32>
          %shift_left3A_715 = arith.constant 16 : i32
          %shift_left3A_716 = vector.broadcast %shift_left3A_715 : i32 to vector<16xi32>
          %shift_left3A_717 = arith.shli %bitcast3A_714, %shift_left3A_716 : vector<16xi32>
          %bitcast_convert_type3A_718 = tpu.bitcast %shift_left3A_717 : vector<16xi32> -> vector<16xf32>
          %and3A_719 = vector.broadcast %scan3A_139 : i32 to vector<16xi32>
          %and3A_720 = arith.andi %bitcast3A_714, %and3A_719 : vector<16xi32>
          %bitcast_convert_type3A_721 = tpu.bitcast %and3A_720 : vector<16xi32> -> vector<16xf32>
          %swap3A_722 = arith.index_cast %add3A_479 : i32 to index
          %swap3A_723 = arith.constant 32 : index
          %swap3A_724 = tpu.vector_load %arg8[%swap3A_722, %swap3A_723] {strides = array<i32>} : memref<128x128xf32, #tpu.memory_space<vmem>>, vector<16xf32>,
          tpu.vector_store %arg8[%swap3A_722, %swap3A_723], %bitcast_convert_type3A_718 {strides = array<i32>} : memref<128x128xf32, #tpu.memory_space<vmem>>, vector<16xf32>,
          %swap3A_725 = arith.index_cast %add3A_479 : i32 to index
          %swap3A_726 = arith.constant 48 : index
          %swap3A_727 = tpu.vector_load %arg8[%swap3A_725, %swap3A_726] {strides = array<i32>} : memref<128x128xf32, #tpu.memory_space<vmem>>, vector<16xf32>,
          tpu.vector_store %arg8[%swap3A_725, %swap3A_726], %bitcast_convert_type3A_721 {strides = array<i32>} : memref<128x128xf32, #tpu.memory_space<vmem>>, vector<16xf32>,
          %bitcast3A_728 = vector.bitcast %add3A_698 : vector<32xbf16> to vector<16xi32>
          %shift_left3A_729 = arith.constant 16 : i32
          %shift_left3A_730 = vector.broadcast %shift_left3A_729 : i32 to vector<16xi32>
          %shift_left3A_731 = arith.shli %bitcast3A_728, %shift_left3A_730 : vector<16xi32>
          %bitcast_convert_type3A_732 = tpu.bitcast %shift_left3A_731 : vector<16xi32> -> vector<16xf32>
          %and3A_733 = vector.broadcast %scan3A_139 : i32 to vector<16xi32>
          %and3A_734 = arith.andi %bitcast3A_728, %and3A_733 : vector<16xi32>
          %bitcast_convert_type3A_735 = tpu.bitcast %and3A_734 : vector<16xi32> -> vector<16xf32>
          %swap3A_736 = arith.index_cast %add3A_479 : i32 to index
          %swap3A_737 = arith.constant 64 : index
          %swap3A_738 = tpu.vector_load %arg8[%swap3A_736, %swap3A_737] {strides = array<i32>} : memref<128x128xf32, #tpu.memory_space<vmem>>, vector<16xf32>,
          tpu.vector_store %arg8[%swap3A_736, %swap3A_737], %bitcast_convert_type3A_732 {strides = array<i32>} : memref<128x128xf32, #tpu.memory_space<vmem>>, vector<16xf32>,
          %swap3A_739 = arith.index_cast %add3A_479 : i32 to index
          %swap3A_740 = arith.constant 80 : index
          %swap3A_741 = tpu.vector_load %arg8[%swap3A_739, %swap3A_740] {strides = array<i32>} : memref<128x128xf32, #tpu.memory_space<vmem>>, vector<16xf32>,
          tpu.vector_store %arg8[%swap3A_739, %swap3A_740], %bitcast_convert_type3A_735 {strides = array<i32>} : memref<128x128xf32, #tpu.memory_space<vmem>>, vector<16xf32>,
          %bitcast3A_742 = vector.bitcast %add3A_699 : vector<32xbf16> to vector<16xi32>
          %shift_left3A_743 = arith.constant 16 : i32
          %shift_left3A_744 = vector.broadcast %shift_left3A_743 : i32 to vector<16xi32>
          %shift_left3A_745 = arith.shli %bitcast3A_742, %shift_left3A_744 : vector<16xi32>
          %bitcast_convert_type3A_746 = tpu.bitcast %shift_left3A_745 : vector<16xi32> -> vector<16xf32>
          %and3A_747 = vector.broadcast %scan3A_139 : i32 to vector<16xi32>
          %and3A_748 = arith.andi %bitcast3A_742, %and3A_747 : vector<16xi32>
          %bitcast_convert_type3A_749 = tpu.bitcast %and3A_748 : vector<16xi32> -> vector<16xf32>
          %swap3A_750 = arith.index_cast %add3A_479 : i32 to index
          %swap3A_751 = arith.constant 96 : index
          %swap3A_752 = tpu.vector_load %arg8[%swap3A_750, %swap3A_751] {strides = array<i32>} : memref<128x128xf32, #tpu.memory_space<vmem>>, vector<16xf32>,
          tpu.vector_store %arg8[%swap3A_750, %swap3A_751], %bitcast_convert_type3A_746 {strides = array<i32>} : memref<128x128xf32, #tpu.memory_space<vmem>>, vector<16xf32>,
          %swap3A_753 = arith.index_cast %add3A_479 : i32 to index
          %swap3A_754 = arith.constant 112 : index
          %swap3A_755 = tpu.vector_load %arg8[%swap3A_753, %swap3A_754] {strides = array<i32>} : memref<128x128xf32, #tpu.memory_space<vmem>>, vector<16xf32>,
          tpu.vector_store %arg8[%swap3A_753, %swap3A_754], %bitcast_convert_type3A_749 {strides = array<i32>} : memref<128x128xf32, #tpu.memory_space<vmem>>, vector<16xf32>,
        }
        %scan3A_192 = arith.constant 64 : i32
        %dma_start3A_193 = arith.constant 0 : i32
        %dma_start3A_194 = tpu.memref_slice %arg4[%add3A_176, %dma_start3A_193] : memref<100000x128xf32, #tpu.memory_space<hbm>> -> memref<128x128xf32, #tpu.memory_space<hbm>>
        %dma_start3A_195 = arith.constant 0 : i32
        %dma_start3A_196 = tpu.memref_slice %arg4[%add3A_176, %dma_start3A_195] : memref<100000x128xf32, #tpu.memory_space<hbm>> -> memref<128x128xf32, #tpu.memory_space<hbm>>
        tpu.enqueue_dma source(%arg8 : memref<128x128xf32, #tpu.memory_space<vmem>>) target(%dma_start3A_196 : memref<128x128xf32, #tpu.memory_space<hbm>>) target_semaphore(%arg10 : memref<!tpu.dma_semaphore, #tpu.memory_space<semaphore_mem>>)
      } else {
      }
      %mul3A_163 = arith.constant 2 : i32
      %mul3A_164 = arith.muli %mul3A_163, %scan3A_157 : i32
      %add3A_165 = arith.constant 1 : i32
      %add3A_166 = arith.addi %mul3A_164, %add3A_165 : i32
      %lt3A_167 = arith.cmpi slt, %add3A_166, %select_n3A : i32
      %convert_element_type3A_168 = arith.extui %lt3A_167 : i1 to i32
      %cond3A_169 = arith.constant 0 : i32
      %cond3A_170 = arith.cmpi ne, %convert_element_type3A_168, %cond3A_169 : i32
      scf.if %cond3A_170 {
        %mul3A_171 = arith.constant 128 : i32
        %mul3A_172 = arith.muli %add3A_166, %mul3A_171 : i32
        %sub3A_173 = arith.constant 128 : i32
        %sub3A_174 = arith.subi %min3A_4, %sub3A_173 : i32
        %min3A_175 = arith.minsi %mul3A_172, %sub3A_174 : i32
        %add3A_176 = arith.addi %mul3A_2, %min3A_175 : i32
        %ge3A = arith.constant 2 : i32
        %ge3A_177 = arith.cmpi sge, %add3A_166, %ge3A : i32
        %convert_element_type3A_178 = arith.extui %ge3A_177 : i1 to i32
        %cond3A_179 = arith.constant 0 : i32
        %cond3A_180 = arith.cmpi ne, %convert_element_type3A_178, %cond3A_179 : i32
        scf.if %cond3A_180 {
          %dma_wait3A_197 = arith.constant 0 : i32
          %dma_wait3A_198 = arith.constant 0 : i32
          %dma_wait3A_199 = tpu.memref_slice %arg4[%dma_wait3A_197, %dma_wait3A_198] : memref<100000x128xf32, #tpu.memory_space<hbm>> -> memref<128x128xf32, #tpu.memory_space<hbm>>
          %dma_wait3A_200 = arith.constant 0 : i32
          %dma_wait3A_201 = arith.constant 0 : i32
          %dma_wait3A_202 = tpu.memref_slice %arg4[%dma_wait3A_200, %dma_wait3A_201] : memref<100000x128xf32, #tpu.memory_space<hbm>> -> memref<128x128xf32, #tpu.memory_space<hbm>>
          tpu.wait_dma2 semaphore(%arg11 : memref<!tpu.dma_semaphore, #tpu.memory_space<semaphore_mem>>) src(%arg9 : memref<128x128xf32, #tpu.memory_space<vmem>>) dst(%dma_wait3A_202 : memref<128x128xf32, #tpu.memory_space<hbm>>)
        } else {
        }
        %scan3A_181 = arith.constant 0 : i32
        %scan3A_182 = arith.constant 0 : i32
        %scan3A_183 = arith.constant 8 : i32
        %scan3A_184 = arith.addi %scan3A_182, %scan3A_183 : i32
        %scan3A_185 = arith.constant 1 : i32
        scf.for %scan3A_197 = %scan3A_182 to %scan3A_184 step %scan3A_185  : i32 {
          %mul3A_198 = arith.constant 128 : i32
          %mul3A_199 = arith.muli %scan3A_197, %mul3A_198 : i32
          %add3A_200 = vector.broadcast %mul3A_199 : i32 to vector<16xi32>
          %add3A_201 = arith.addi %mul3A_138, %add3A_200 : vector<16xi32>
          %add3A_202 = arith.constant 0 : i32
          %add3A_203 = arith.addi %add3A_202, %min3A_175 : i32
          %mul3A_204 = arith.constant 16 : i32
          %mul3A_205 = arith.muli %scan3A_197, %mul3A_204 : i32
          %add3A_206 = arith.addi %add3A_203, %mul3A_205 : i32
          %get3A = arith.index_cast %add3A_206 : i32 to index
          %get3A_207 = tpu.vector_load %arg5[%get3A] {strides = array<i32>} : memref<25600xi32, #tpu.memory_space<vmem>>, vector<16xi32>,
          %add3A_208 = arith.constant 0 : i32
          %add3A_209 = vector.broadcast %add3A_208 : i32 to vector<16xi32>
          %add3A_210 = arith.addi %add3A_201, %add3A_209 : vector<16xi32>
          tpu.vector_store_idx %arg6[%add3A_210], %get3A_207 : memref<1024xi32, #tpu.memory_space<vmem>>[vector<16xi32>], vector<16xi32>,
          %add3A_211 = arith.constant 3200 : i32
          %add3A_212 = arith.addi %add3A_211, %min3A_175 : i32
          %mul3A_213 = arith.constant 16 : i32
          %mul3A_214 = arith.muli %scan3A_197, %mul3A_213 : i32
          %add3A_215 = arith.addi %add3A_212, %mul3A_214 : i32
          %get3A_216 = arith.index_cast %add3A_215 : i32 to index
          %get3A_217 = tpu.vector_load %arg5[%get3A_216] {strides = array<i32>} : memref<25600xi32, #tpu.memory_space<vmem>>, vector<16xi32>,
          %add3A_218 = arith.constant 1 : i32
          %add3A_219 = vector.broadcast %add3A_218 : i32 to vector<16xi32>
          %add3A_220 = arith.addi %add3A_201, %add3A_219 : vector<16xi32>
          tpu.vector_store_idx %arg6[%add3A_220], %get3A_217 : memref<1024xi32, #tpu.memory_space<vmem>>[vector<16xi32>], vector<16xi32>,
          %add3A_221 = arith.constant 6400 : i32
          %add3A_222 = arith.addi %add3A_221, %min3A_175 : i32
          %mul3A_223 = arith.constant 16 : i32
          %mul3A_224 = arith.muli %scan3A_197, %mul3A_223 : i32
          %add3A_225 = arith.addi %add3A_222, %mul3A_224 : i32
          %get3A_226 = arith.index_cast %add3A_225 : i32 to index
          %get3A_227 = tpu.vector_load %arg5[%get3A_226] {strides = array<i32>} : memref<25600xi32, #tpu.memory_space<vmem>>, vector<16xi32>,
          %add3A_228 = arith.constant 2 : i32
          %add3A_229 = vector.broadcast %add3A_228 : i32 to vector<16xi32>
          %add3A_230 = arith.addi %add3A_201, %add3A_229 : vector<16xi32>
          tpu.vector_store_idx %arg6[%add3A_230], %get3A_227 : memref<1024xi32, #tpu.memory_space<vmem>>[vector<16xi32>], vector<16xi32>,
          %add3A_231 = arith.constant 9600 : i32
          %add3A_232 = arith.addi %add3A_231, %min3A_175 : i32
          %mul3A_233 = arith.constant 16 : i32
          %mul3A_234 = arith.muli %scan3A_197, %mul3A_233 : i32
          %add3A_235 = arith.addi %add3A_232, %mul3A_234 : i32
          %get3A_236 = arith.index_cast %add3A_235 : i32 to index
          %get3A_237 = tpu.vector_load %arg5[%get3A_236] {strides = array<i32>} : memref<25600xi32, #tpu.memory_space<vmem>>, vector<16xi32>,
          %add3A_238 = arith.constant 3 : i32
          %add3A_239 = vector.broadcast %add3A_238 : i32 to vector<16xi32>
          %add3A_240 = arith.addi %add3A_201, %add3A_239 : vector<16xi32>
          tpu.vector_store_idx %arg6[%add3A_240], %get3A_237 : memref<1024xi32, #tpu.memory_space<vmem>>[vector<16xi32>], vector<16xi32>,
          %add3A_241 = arith.constant 12800 : i32
          %add3A_242 = arith.addi %add3A_241, %min3A_175 : i32
          %mul3A_243 = arith.constant 16 : i32
          %mul3A_244 = arith.muli %scan3A_197, %mul3A_243 : i32
          %add3A_245 = arith.addi %add3A_242, %mul3A_244 : i32
          %get3A_246 = arith.index_cast %add3A_245 : i32 to index
          %get3A_247 = tpu.vector_load %arg5[%get3A_246] {strides = array<i32>} : memref<25600xi32, #tpu.memory_space<vmem>>, vector<16xi32>,
          %add3A_248 = arith.constant 4 : i32
          %add3A_249 = vector.broadcast %add3A_248 : i32 to vector<16xi32>
          %add3A_250 = arith.addi %add3A_201, %add3A_249 : vector<16xi32>
          tpu.vector_store_idx %arg6[%add3A_250], %get3A_247 : memref<1024xi32, #tpu.memory_space<vmem>>[vector<16xi32>], vector<16xi32>,
          %add3A_251 = arith.constant 16000 : i32
          %add3A_252 = arith.addi %add3A_251, %min3A_175 : i32
          %mul3A_253 = arith.constant 16 : i32
          %mul3A_254 = arith.muli %scan3A_197, %mul3A_253 : i32
          %add3A_255 = arith.addi %add3A_252, %mul3A_254 : i32
          %get3A_256 = arith.index_cast %add3A_255 : i32 to index
          %get3A_257 = tpu.vector_load %arg5[%get3A_256] {strides = array<i32>} : memref<25600xi32, #tpu.memory_space<vmem>>, vector<16xi32>,
          %add3A_258 = arith.constant 5 : i32
          %add3A_259 = vector.broadcast %add3A_258 : i32 to vector<16xi32>
          %add3A_260 = arith.addi %add3A_201, %add3A_259 : vector<16xi32>
          tpu.vector_store_idx %arg6[%add3A_260], %get3A_257 : memref<1024xi32, #tpu.memory_space<vmem>>[vector<16xi32>], vector<16xi32>,
          %add3A_261 = arith.constant 19200 : i32
          %add3A_262 = arith.addi %add3A_261, %min3A_175 : i32
          %mul3A_263 = arith.constant 16 : i32
          %mul3A_264 = arith.muli %scan3A_197, %mul3A_263 : i32
          %add3A_265 = arith.addi %add3A_262, %mul3A_264 : i32
          %get3A_266 = arith.index_cast %add3A_265 : i32 to index
          %get3A_267 = tpu.vector_load %arg5[%get3A_266] {strides = array<i32>} : memref<25600xi32, #tpu.memory_space<vmem>>, vector<16xi32>,
          %add3A_268 = arith.constant 6 : i32
          %add3A_269 = vector.broadcast %add3A_268 : i32 to vector<16xi32>
          %add3A_270 = arith.addi %add3A_201, %add3A_269 : vector<16xi32>
          tpu.vector_store_idx %arg6[%add3A_270], %get3A_267 : memref<1024xi32, #tpu.memory_space<vmem>>[vector<16xi32>], vector<16xi32>,
          %add3A_271 = arith.constant 22400 : i32
          %add3A_272 = arith.addi %add3A_271, %min3A_175 : i32
          %mul3A_273 = arith.constant 16 : i32
          %mul3A_274 = arith.muli %scan3A_197, %mul3A_273 : i32
          %add3A_275 = arith.addi %add3A_272, %mul3A_274 : i32
          %get3A_276 = arith.index_cast %add3A_275 : i32 to index
          %get3A_277 = tpu.vector_load %arg5[%get3A_276] {strides = array<i32>} : memref<25600xi32, #tpu.memory_space<vmem>>, vector<16xi32>,
          %add3A_278 = arith.constant 7 : i32
          %add3A_279 = vector.broadcast %add3A_278 : i32 to vector<16xi32>
          %add3A_280 = arith.addi %add3A_201, %add3A_279 : vector<16xi32>
          tpu.vector_store_idx %arg6[%add3A_280], %get3A_277 : memref<1024xi32, #tpu.memory_space<vmem>>[vector<16xi32>], vector<16xi32>,
        }
        %scan3A_186 = arith.constant 8 : i32
        %scan3A_187 = arith.constant 0 : i32
        %scan3A_188 = arith.constant 0 : i32
        %scan3A_189 = arith.constant 64 : i32
        %scan3A_190 = arith.addi %scan3A_188, %scan3A_189 : i32
        %scan3A_191 = arith.constant 1 : i32
        scf.for %scan3A_197 = %scan3A_188 to %scan3A_190 step %scan3A_191  : i32 {
          %mul3A_198 = arith.constant 16 : i32
          %mul3A_199 = arith.muli %scan3A_197, %mul3A_198 : i32
          %get3A = arith.index_cast %mul3A_199 : i32 to index
          %get3A_200 = tpu.vector_load %arg6[%get3A] {strides = array<i32>} : memref<1024xi32, #tpu.memory_space<vmem>>, vector<16xi32>,
          %and3A_201 = arith.constant 1023 : i32
          %and3A_202 = vector.broadcast %and3A_201 : i32 to vector<16xi32>
          %and3A_203 = arith.andi %get3A_200, %and3A_202 : vector<16xi32>
          %mul3A_204 = arith.constant 2 : i32
          %mul3A_205 = arith.muli %mul3A_204, %scan3A_197 : i32
          %slice3A = vector.extract_strided_slice %and3A_203 {offsets = [0], sizes = [1], strides = [1]} : vector<16xi32> to vector<1xi32>
          %squeeze3A = vector.extract %slice3A[0] : i32 from vector<1xi32>
          %mul3A_206 = arith.constant 64 : i32
          %mul3A_207 = arith.muli %squeeze3A, %mul3A_206 : i32
          %add3A_208 = arith.constant 0 : i32
          %add3A_209 = arith.addi %mul3A_207, %add3A_208 : i32
          %get3A_210 = arith.index_cast %add3A_209 : i32 to index
          %get3A_211 = tpu.vector_load %arg7[%get3A_210] {strides = array<i32>} : memref<65536xi32, #tpu.memory_space<vmem>>, vector<16xi32>,
          %bitcast3A = vector.bitcast %get3A_211 : vector<16xi32> to vector<32xbf16>
          %add3A_212 = arith.constant 16 : i32
          %add3A_213 = arith.addi %mul3A_207, %add3A_212 : i32
          %get3A_214 = arith.index_cast %add3A_213 : i32 to index
          %get3A_215 = tpu.vector_load %arg7[%get3A_214] {strides = array<i32>} : memref<65536xi32, #tpu.memory_space<vmem>>, vector<16xi32>,
          %bitcast3A_216 = vector.bitcast %get3A_215 : vector<16xi32> to vector<32xbf16>
          %add3A_217 = arith.constant 32 : i32
          %add3A_218 = arith.addi %mul3A_207, %add3A_217 : i32
          %get3A_219 = arith.index_cast %add3A_218 : i32 to index
          %get3A_220 = tpu.vector_load %arg7[%get3A_219] {strides = array<i32>} : memref<65536xi32, #tpu.memory_space<vmem>>, vector<16xi32>,
          %bitcast3A_221 = vector.bitcast %get3A_220 : vector<16xi32> to vector<32xbf16>
          %add3A_222 = arith.constant 48 : i32
          %add3A_223 = arith.addi %mul3A_207, %add3A_222 : i32
          %get3A_224 = arith.index_cast %add3A_223 : i32 to index
          %get3A_225 = tpu.vector_load %arg7[%get3A_224] {strides = array<i32>} : memref<65536xi32, #tpu.memory_space<vmem>>, vector<16xi32>,
          %bitcast3A_226 = vector.bitcast %get3A_225 : vector<16xi32> to vector<32xbf16>
          %slice3A_227 = vector.extract_strided_slice %and3A_203 {offsets = [1], sizes = [1], strides = [1]} : vector<16xi32> to vector<1xi32>
          %squeeze3A_228 = vector.extract %slice3A_227[0] : i32 from vector<1xi32>
          %mul3A_229 = arith.constant 64 : i32
          %mul3A_230 = arith.muli %squeeze3A_228, %mul3A_229 : i32
          %add3A_231 = arith.constant 0 : i32
          %add3A_232 = arith.addi %mul3A_230, %add3A_231 : i32
          %get3A_233 = arith.index_cast %add3A_232 : i32 to index
          %get3A_234 = tpu.vector_load %arg7[%get3A_233] {strides = array<i32>} : memref<65536xi32, #tpu.memory_space<vmem>>, vector<16xi32>,
          %bitcast3A_235 = vector.bitcast %get3A_234 : vector<16xi32> to vector<32xbf16>
          %add3A_236 = arith.constant 16 : i32
          %add3A_237 = arith.addi %mul3A_230, %add3A_236 : i32
          %get3A_238 = arith.index_cast %add3A_237 : i32 to index
          %get3A_239 = tpu.vector_load %arg7[%get3A_238] {strides = array<i32>} : memref<65536xi32, #tpu.memory_space<vmem>>, vector<16xi32>,
          %bitcast3A_240 = vector.bitcast %get3A_239 : vector<16xi32> to vector<32xbf16>
          %add3A_241 = arith.constant 32 : i32
          %add3A_242 = arith.addi %mul3A_230, %add3A_241 : i32
          %get3A_243 = arith.index_cast %add3A_242 : i32 to index
          %get3A_244 = tpu.vector_load %arg7[%get3A_243] {strides = array<i32>} : memref<65536xi32, #tpu.memory_space<vmem>>, vector<16xi32>,
          %bitcast3A_245 = vector.bitcast %get3A_244 : vector<16xi32> to vector<32xbf16>
          %add3A_246 = arith.constant 48 : i32
          %add3A_247 = arith.addi %mul3A_230, %add3A_246 : i32
          %get3A_248 = arith.index_cast %add3A_247 : i32 to index
          %get3A_249 = tpu.vector_load %arg7[%get3A_248] {strides = array<i32>} : memref<65536xi32, #tpu.memory_space<vmem>>, vector<16xi32>,
          %bitcast3A_250 = vector.bitcast %get3A_249 : vector<16xi32> to vector<32xbf16>
          %slice3A_251 = vector.extract_strided_slice %and3A_203 {offsets = [2], sizes = [1], strides = [1]} : vector<16xi32> to vector<1xi32>
          %squeeze3A_252 = vector.extract %slice3A_251[0] : i32 from vector<1xi32>
          %mul3A_253 = arith.constant 64 : i32
          %mul3A_254 = arith.muli %squeeze3A_252, %mul3A_253 : i32
          %add3A_255 = arith.constant 0 : i32
          %add3A_256 = arith.addi %mul3A_254, %add3A_255 : i32
          %get3A_257 = arith.index_cast %add3A_256 : i32 to index
          %get3A_258 = tpu.vector_load %arg7[%get3A_257] {strides = array<i32>} : memref<65536xi32, #tpu.memory_space<vmem>>, vector<16xi32>,
          %bitcast3A_259 = vector.bitcast %get3A_258 : vector<16xi32> to vector<32xbf16>
          %add3A_260 = arith.constant 16 : i32
          %add3A_261 = arith.addi %mul3A_254, %add3A_260 : i32
          %get3A_262 = arith.index_cast %add3A_261 : i32 to index
          %get3A_263 = tpu.vector_load %arg7[%get3A_262] {strides = array<i32>} : memref<65536xi32, #tpu.memory_space<vmem>>, vector<16xi32>,
          %bitcast3A_264 = vector.bitcast %get3A_263 : vector<16xi32> to vector<32xbf16>
          %add3A_265 = arith.constant 32 : i32
          %add3A_266 = arith.addi %mul3A_254, %add3A_265 : i32
          %get3A_267 = arith.index_cast %add3A_266 : i32 to index
          %get3A_268 = tpu.vector_load %arg7[%get3A_267] {strides = array<i32>} : memref<65536xi32, #tpu.memory_space<vmem>>, vector<16xi32>,
          %bitcast3A_269 = vector.bitcast %get3A_268 : vector<16xi32> to vector<32xbf16>
          %add3A_270 = arith.constant 48 : i32
          %add3A_271 = arith.addi %mul3A_254, %add3A_270 : i32
          %get3A_272 = arith.index_cast %add3A_271 : i32 to index
          %get3A_273 = tpu.vector_load %arg7[%get3A_272] {strides = array<i32>} : memref<65536xi32, #tpu.memory_space<vmem>>, vector<16xi32>,
          %bitcast3A_274 = vector.bitcast %get3A_273 : vector<16xi32> to vector<32xbf16>
          %add3A_275 = arith.addf %bitcast3A, %bitcast3A_259 : vector<32xbf16>
          %add3A_276 = arith.addf %bitcast3A_216, %bitcast3A_264 : vector<32xbf16>
          %add3A_277 = arith.addf %bitcast3A_221, %bitcast3A_269 : vector<32xbf16>
          %add3A_278 = arith.addf %bitcast3A_226, %bitcast3A_274 : vector<32xbf16>
          %slice3A_279 = vector.extract_strided_slice %and3A_203 {offsets = [3], sizes = [1], strides = [1]} : vector<16xi32> to vector<1xi32>
          %squeeze3A_280 = vector.extract %slice3A_279[0] : i32 from vector<1xi32>
          %mul3A_281 = arith.constant 64 : i32
          %mul3A_282 = arith.muli %squeeze3A_280, %mul3A_281 : i32
          %add3A_283 = arith.constant 0 : i32
          %add3A_284 = arith.addi %mul3A_282, %add3A_283 : i32
          %get3A_285 = arith.index_cast %add3A_284 : i32 to index
          %get3A_286 = tpu.vector_load %arg7[%get3A_285] {strides = array<i32>} : memref<65536xi32, #tpu.memory_space<vmem>>, vector<16xi32>,
          %bitcast3A_287 = vector.bitcast %get3A_286 : vector<16xi32> to vector<32xbf16>
          %add3A_288 = arith.constant 16 : i32
          %add3A_289 = arith.addi %mul3A_282, %add3A_288 : i32
          %get3A_290 = arith.index_cast %add3A_289 : i32 to index
          %get3A_291 = tpu.vector_load %arg7[%get3A_290] {strides = array<i32>} : memref<65536xi32, #tpu.memory_space<vmem>>, vector<16xi32>,
          %bitcast3A_292 = vector.bitcast %get3A_291 : vector<16xi32> to vector<32xbf16>
          %add3A_293 = arith.constant 32 : i32
          %add3A_294 = arith.addi %mul3A_282, %add3A_293 : i32
          %get3A_295 = arith.index_cast %add3A_294 : i32 to index
          %get3A_296 = tpu.vector_load %arg7[%get3A_295] {strides = array<i32>} : memref<65536xi32, #tpu.memory_space<vmem>>, vector<16xi32>,
          %bitcast3A_297 = vector.bitcast %get3A_296 : vector<16xi32> to vector<32xbf16>
          %add3A_298 = arith.constant 48 : i32
          %add3A_299 = arith.addi %mul3A_282, %add3A_298 : i32
          %get3A_300 = arith.index_cast %add3A_299 : i32 to index
          %get3A_301 = tpu.vector_load %arg7[%get3A_300] {strides = array<i32>} : memref<65536xi32, #tpu.memory_space<vmem>>, vector<16xi32>,
          %bitcast3A_302 = vector.bitcast %get3A_301 : vector<16xi32> to vector<32xbf16>
          %add3A_303 = arith.addf %bitcast3A_235, %bitcast3A_287 : vector<32xbf16>
          %add3A_304 = arith.addf %bitcast3A_240, %bitcast3A_292 : vector<32xbf16>
          %add3A_305 = arith.addf %bitcast3A_245, %bitcast3A_297 : vector<32xbf16>
          %add3A_306 = arith.addf %bitcast3A_250, %bitcast3A_302 : vector<32xbf16>
          %slice3A_307 = vector.extract_strided_slice %and3A_203 {offsets = [4], sizes = [1], strides = [1]} : vector<16xi32> to vector<1xi32>
          %squeeze3A_308 = vector.extract %slice3A_307[0] : i32 from vector<1xi32>
          %mul3A_309 = arith.constant 64 : i32
          %mul3A_310 = arith.muli %squeeze3A_308, %mul3A_309 : i32
          %add3A_311 = arith.constant 0 : i32
          %add3A_312 = arith.addi %mul3A_310, %add3A_311 : i32
          %get3A_313 = arith.index_cast %add3A_312 : i32 to index
          %get3A_314 = tpu.vector_load %arg7[%get3A_313] {strides = array<i32>} : memref<65536xi32, #tpu.memory_space<vmem>>, vector<16xi32>,
          %bitcast3A_315 = vector.bitcast %get3A_314 : vector<16xi32> to vector<32xbf16>
          %add3A_316 = arith.constant 16 : i32
          %add3A_317 = arith.addi %mul3A_310, %add3A_316 : i32
          %get3A_318 = arith.index_cast %add3A_317 : i32 to index
          %get3A_319 = tpu.vector_load %arg7[%get3A_318] {strides = array<i32>} : memref<65536xi32, #tpu.memory_space<vmem>>, vector<16xi32>,
          %bitcast3A_320 = vector.bitcast %get3A_319 : vector<16xi32> to vector<32xbf16>
          %add3A_321 = arith.constant 32 : i32
          %add3A_322 = arith.addi %mul3A_310, %add3A_321 : i32
          %get3A_323 = arith.index_cast %add3A_322 : i32 to index
          %get3A_324 = tpu.vector_load %arg7[%get3A_323] {strides = array<i32>} : memref<65536xi32, #tpu.memory_space<vmem>>, vector<16xi32>,
          %bitcast3A_325 = vector.bitcast %get3A_324 : vector<16xi32> to vector<32xbf16>
          %add3A_326 = arith.constant 48 : i32
          %add3A_327 = arith.addi %mul3A_310, %add3A_326 : i32
          %get3A_328 = arith.index_cast %add3A_327 : i32 to index
          %get3A_329 = tpu.vector_load %arg7[%get3A_328] {strides = array<i32>} : memref<65536xi32, #tpu.memory_space<vmem>>, vector<16xi32>,
          %bitcast3A_330 = vector.bitcast %get3A_329 : vector<16xi32> to vector<32xbf16>
          %add3A_331 = arith.addf %add3A_275, %bitcast3A_315 : vector<32xbf16>
          %add3A_332 = arith.addf %add3A_276, %bitcast3A_320 : vector<32xbf16>
          %add3A_333 = arith.addf %add3A_277, %bitcast3A_325 : vector<32xbf16>
          %add3A_334 = arith.addf %add3A_278, %bitcast3A_330 : vector<32xbf16>
          %slice3A_335 = vector.extract_strided_slice %and3A_203 {offsets = [5], sizes = [1], strides = [1]} : vector<16xi32> to vector<1xi32>
          %squeeze3A_336 = vector.extract %slice3A_335[0] : i32 from vector<1xi32>
          %mul3A_337 = arith.constant 64 : i32
          %mul3A_338 = arith.muli %squeeze3A_336, %mul3A_337 : i32
          %add3A_339 = arith.constant 0 : i32
          %add3A_340 = arith.addi %mul3A_338, %add3A_339 : i32
          %get3A_341 = arith.index_cast %add3A_340 : i32 to index
          %get3A_342 = tpu.vector_load %arg7[%get3A_341] {strides = array<i32>} : memref<65536xi32, #tpu.memory_space<vmem>>, vector<16xi32>,
          %bitcast3A_343 = vector.bitcast %get3A_342 : vector<16xi32> to vector<32xbf16>
          %add3A_344 = arith.constant 16 : i32
          %add3A_345 = arith.addi %mul3A_338, %add3A_344 : i32
          %get3A_346 = arith.index_cast %add3A_345 : i32 to index
          %get3A_347 = tpu.vector_load %arg7[%get3A_346] {strides = array<i32>} : memref<65536xi32, #tpu.memory_space<vmem>>, vector<16xi32>,
          %bitcast3A_348 = vector.bitcast %get3A_347 : vector<16xi32> to vector<32xbf16>
          %add3A_349 = arith.constant 32 : i32
          %add3A_350 = arith.addi %mul3A_338, %add3A_349 : i32
          %get3A_351 = arith.index_cast %add3A_350 : i32 to index
          %get3A_352 = tpu.vector_load %arg7[%get3A_351] {strides = array<i32>} : memref<65536xi32, #tpu.memory_space<vmem>>, vector<16xi32>,
          %bitcast3A_353 = vector.bitcast %get3A_352 : vector<16xi32> to vector<32xbf16>
          %add3A_354 = arith.constant 48 : i32
          %add3A_355 = arith.addi %mul3A_338, %add3A_354 : i32
          %get3A_356 = arith.index_cast %add3A_355 : i32 to index
          %get3A_357 = tpu.vector_load %arg7[%get3A_356] {strides = array<i32>} : memref<65536xi32, #tpu.memory_space<vmem>>, vector<16xi32>,
          %bitcast3A_358 = vector.bitcast %get3A_357 : vector<16xi32> to vector<32xbf16>
          %add3A_359 = arith.addf %add3A_303, %bitcast3A_343 : vector<32xbf16>
          %add3A_360 = arith.addf %add3A_304, %bitcast3A_348 : vector<32xbf16>
          %add3A_361 = arith.addf %add3A_305, %bitcast3A_353 : vector<32xbf16>
          %add3A_362 = arith.addf %add3A_306, %bitcast3A_358 : vector<32xbf16>
          %slice3A_363 = vector.extract_strided_slice %and3A_203 {offsets = [6], sizes = [1], strides = [1]} : vector<16xi32> to vector<1xi32>
          %squeeze3A_364 = vector.extract %slice3A_363[0] : i32 from vector<1xi32>
          %mul3A_365 = arith.constant 64 : i32
          %mul3A_366 = arith.muli %squeeze3A_364, %mul3A_365 : i32
          %add3A_367 = arith.constant 0 : i32
          %add3A_368 = arith.addi %mul3A_366, %add3A_367 : i32
          %get3A_369 = arith.index_cast %add3A_368 : i32 to index
          %get3A_370 = tpu.vector_load %arg7[%get3A_369] {strides = array<i32>} : memref<65536xi32, #tpu.memory_space<vmem>>, vector<16xi32>,
          %bitcast3A_371 = vector.bitcast %get3A_370 : vector<16xi32> to vector<32xbf16>
          %add3A_372 = arith.constant 16 : i32
          %add3A_373 = arith.addi %mul3A_366, %add3A_372 : i32
          %get3A_374 = arith.index_cast %add3A_373 : i32 to index
          %get3A_375 = tpu.vector_load %arg7[%get3A_374] {strides = array<i32>} : memref<65536xi32, #tpu.memory_space<vmem>>, vector<16xi32>,
          %bitcast3A_376 = vector.bitcast %get3A_375 : vector<16xi32> to vector<32xbf16>
          %add3A_377 = arith.constant 32 : i32
          %add3A_378 = arith.addi %mul3A_366, %add3A_377 : i32
          %get3A_379 = arith.index_cast %add3A_378 : i32 to index
          %get3A_380 = tpu.vector_load %arg7[%get3A_379] {strides = array<i32>} : memref<65536xi32, #tpu.memory_space<vmem>>, vector<16xi32>,
          %bitcast3A_381 = vector.bitcast %get3A_380 : vector<16xi32> to vector<32xbf16>
          %add3A_382 = arith.constant 48 : i32
          %add3A_383 = arith.addi %mul3A_366, %add3A_382 : i32
          %get3A_384 = arith.index_cast %add3A_383 : i32 to index
          %get3A_385 = tpu.vector_load %arg7[%get3A_384] {strides = array<i32>} : memref<65536xi32, #tpu.memory_space<vmem>>, vector<16xi32>,
          %bitcast3A_386 = vector.bitcast %get3A_385 : vector<16xi32> to vector<32xbf16>
          %add3A_387 = arith.addf %add3A_331, %bitcast3A_371 : vector<32xbf16>
          %add3A_388 = arith.addf %add3A_332, %bitcast3A_376 : vector<32xbf16>
          %add3A_389 = arith.addf %add3A_333, %bitcast3A_381 : vector<32xbf16>
          %add3A_390 = arith.addf %add3A_334, %bitcast3A_386 : vector<32xbf16>
          %slice3A_391 = vector.extract_strided_slice %and3A_203 {offsets = [7], sizes = [1], strides = [1]} : vector<16xi32> to vector<1xi32>
          %squeeze3A_392 = vector.extract %slice3A_391[0] : i32 from vector<1xi32>
          %mul3A_393 = arith.constant 64 : i32
          %mul3A_394 = arith.muli %squeeze3A_392, %mul3A_393 : i32
          %add3A_395 = arith.constant 0 : i32
          %add3A_396 = arith.addi %mul3A_394, %add3A_395 : i32
          %get3A_397 = arith.index_cast %add3A_396 : i32 to index
          %get3A_398 = tpu.vector_load %arg7[%get3A_397] {strides = array<i32>} : memref<65536xi32, #tpu.memory_space<vmem>>, vector<16xi32>,
          %bitcast3A_399 = vector.bitcast %get3A_398 : vector<16xi32> to vector<32xbf16>
          %add3A_400 = arith.constant 16 : i32
          %add3A_401 = arith.addi %mul3A_394, %add3A_400 : i32
          %get3A_402 = arith.index_cast %add3A_401 : i32 to index
          %get3A_403 = tpu.vector_load %arg7[%get3A_402] {strides = array<i32>} : memref<65536xi32, #tpu.memory_space<vmem>>, vector<16xi32>,
          %bitcast3A_404 = vector.bitcast %get3A_403 : vector<16xi32> to vector<32xbf16>
          %add3A_405 = arith.constant 32 : i32
          %add3A_406 = arith.addi %mul3A_394, %add3A_405 : i32
          %get3A_407 = arith.index_cast %add3A_406 : i32 to index
          %get3A_408 = tpu.vector_load %arg7[%get3A_407] {strides = array<i32>} : memref<65536xi32, #tpu.memory_space<vmem>>, vector<16xi32>,
          %bitcast3A_409 = vector.bitcast %get3A_408 : vector<16xi32> to vector<32xbf16>
          %add3A_410 = arith.constant 48 : i32
          %add3A_411 = arith.addi %mul3A_394, %add3A_410 : i32
          %get3A_412 = arith.index_cast %add3A_411 : i32 to index
          %get3A_413 = tpu.vector_load %arg7[%get3A_412] {strides = array<i32>} : memref<65536xi32, #tpu.memory_space<vmem>>, vector<16xi32>,
          %bitcast3A_414 = vector.bitcast %get3A_413 : vector<16xi32> to vector<32xbf16>
          %add3A_415 = arith.addf %add3A_359, %bitcast3A_399 : vector<32xbf16>
          %add3A_416 = arith.addf %add3A_360, %bitcast3A_404 : vector<32xbf16>
          %add3A_417 = arith.addf %add3A_361, %bitcast3A_409 : vector<32xbf16>
          %add3A_418 = arith.addf %add3A_362, %bitcast3A_414 : vector<32xbf16>
          %add3A_419 = arith.addf %add3A_387, %add3A_415 : vector<32xbf16>
          %add3A_420 = arith.addf %add3A_388, %add3A_416 : vector<32xbf16>
          %add3A_421 = arith.addf %add3A_389, %add3A_417 : vector<32xbf16>
          %add3A_422 = arith.addf %add3A_390, %add3A_418 : vector<32xbf16>
          %bitcast3A_423 = vector.bitcast %add3A_419 : vector<32xbf16> to vector<16xi32>
          %shift_left3A = arith.constant 16 : i32
          %shift_left3A_424 = vector.broadcast %shift_left3A : i32 to vector<16xi32>
          %shift_left3A_425 = arith.shli %bitcast3A_423, %shift_left3A_424 : vector<16xi32>
          %bitcast_convert_type3A = tpu.bitcast %shift_left3A_425 : vector<16xi32> -> vector<16xf32>
          %and3A_426 = vector.broadcast %scan3A_139 : i32 to vector<16xi32>
          %and3A_427 = arith.andi %bitcast3A_423, %and3A_426 : vector<16xi32>
          %bitcast_convert_type3A_428 = tpu.bitcast %and3A_427 : vector<16xi32> -> vector<16xf32>
          %swap3A = arith.index_cast %mul3A_205 : i32 to index
          %swap3A_429 = arith.constant 0 : index
          %swap3A_430 = tpu.vector_load %arg9[%swap3A, %swap3A_429] {strides = array<i32>} : memref<128x128xf32, #tpu.memory_space<vmem>>, vector<16xf32>,
          tpu.vector_store %arg9[%swap3A, %swap3A_429], %bitcast_convert_type3A {strides = array<i32>} : memref<128x128xf32, #tpu.memory_space<vmem>>, vector<16xf32>,
          %swap3A_431 = arith.index_cast %mul3A_205 : i32 to index
          %swap3A_432 = arith.constant 16 : index
          %swap3A_433 = tpu.vector_load %arg9[%swap3A_431, %swap3A_432] {strides = array<i32>} : memref<128x128xf32, #tpu.memory_space<vmem>>, vector<16xf32>,
          tpu.vector_store %arg9[%swap3A_431, %swap3A_432], %bitcast_convert_type3A_428 {strides = array<i32>} : memref<128x128xf32, #tpu.memory_space<vmem>>, vector<16xf32>,
          %bitcast3A_434 = vector.bitcast %add3A_420 : vector<32xbf16> to vector<16xi32>
          %shift_left3A_435 = arith.constant 16 : i32
          %shift_left3A_436 = vector.broadcast %shift_left3A_435 : i32 to vector<16xi32>
          %shift_left3A_437 = arith.shli %bitcast3A_434, %shift_left3A_436 : vector<16xi32>
          %bitcast_convert_type3A_438 = tpu.bitcast %shift_left3A_437 : vector<16xi32> -> vector<16xf32>
          %and3A_439 = vector.broadcast %scan3A_139 : i32 to vector<16xi32>
          %and3A_440 = arith.andi %bitcast3A_434, %and3A_439 : vector<16xi32>
          %bitcast_convert_type3A_441 = tpu.bitcast %and3A_440 : vector<16xi32> -> vector<16xf32>
          %swap3A_442 = arith.index_cast %mul3A_205 : i32 to index
          %swap3A_443 = arith.constant 32 : index
          %swap3A_444 = tpu.vector_load %arg9[%swap3A_442, %swap3A_443] {strides = array<i32>} : memref<128x128xf32, #tpu.memory_space<vmem>>, vector<16xf32>,
          tpu.vector_store %arg9[%swap3A_442, %swap3A_443], %bitcast_convert_type3A_438 {strides = array<i32>} : memref<128x128xf32, #tpu.memory_space<vmem>>, vector<16xf32>,
          %swap3A_445 = arith.index_cast %mul3A_205 : i32 to index
          %swap3A_446 = arith.constant 48 : index
          %swap3A_447 = tpu.vector_load %arg9[%swap3A_445, %swap3A_446] {strides = array<i32>} : memref<128x128xf32, #tpu.memory_space<vmem>>, vector<16xf32>,
          tpu.vector_store %arg9[%swap3A_445, %swap3A_446], %bitcast_convert_type3A_441 {strides = array<i32>} : memref<128x128xf32, #tpu.memory_space<vmem>>, vector<16xf32>,
          %bitcast3A_448 = vector.bitcast %add3A_421 : vector<32xbf16> to vector<16xi32>
          %shift_left3A_449 = arith.constant 16 : i32
          %shift_left3A_450 = vector.broadcast %shift_left3A_449 : i32 to vector<16xi32>
          %shift_left3A_451 = arith.shli %bitcast3A_448, %shift_left3A_450 : vector<16xi32>
          %bitcast_convert_type3A_452 = tpu.bitcast %shift_left3A_451 : vector<16xi32> -> vector<16xf32>
          %and3A_453 = vector.broadcast %scan3A_139 : i32 to vector<16xi32>
          %and3A_454 = arith.andi %bitcast3A_448, %and3A_453 : vector<16xi32>
          %bitcast_convert_type3A_455 = tpu.bitcast %and3A_454 : vector<16xi32> -> vector<16xf32>
          %swap3A_456 = arith.index_cast %mul3A_205 : i32 to index
          %swap3A_457 = arith.constant 64 : index
          %swap3A_458 = tpu.vector_load %arg9[%swap3A_456, %swap3A_457] {strides = array<i32>} : memref<128x128xf32, #tpu.memory_space<vmem>>, vector<16xf32>,
          tpu.vector_store %arg9[%swap3A_456, %swap3A_457], %bitcast_convert_type3A_452 {strides = array<i32>} : memref<128x128xf32, #tpu.memory_space<vmem>>, vector<16xf32>,
          %swap3A_459 = arith.index_cast %mul3A_205 : i32 to index
          %swap3A_460 = arith.constant 80 : index
          %swap3A_461 = tpu.vector_load %arg9[%swap3A_459, %swap3A_460] {strides = array<i32>} : memref<128x128xf32, #tpu.memory_space<vmem>>, vector<16xf32>,
          tpu.vector_store %arg9[%swap3A_459, %swap3A_460], %bitcast_convert_type3A_455 {strides = array<i32>} : memref<128x128xf32, #tpu.memory_space<vmem>>, vector<16xf32>,
          %bitcast3A_462 = vector.bitcast %add3A_422 : vector<32xbf16> to vector<16xi32>
          %shift_left3A_463 = arith.constant 16 : i32
          %shift_left3A_464 = vector.broadcast %shift_left3A_463 : i32 to vector<16xi32>
          %shift_left3A_465 = arith.shli %bitcast3A_462, %shift_left3A_464 : vector<16xi32>
          %bitcast_convert_type3A_466 = tpu.bitcast %shift_left3A_465 : vector<16xi32> -> vector<16xf32>
          %and3A_467 = vector.broadcast %scan3A_139 : i32 to vector<16xi32>
          %and3A_468 = arith.andi %bitcast3A_462, %and3A_467 : vector<16xi32>
          %bitcast_convert_type3A_469 = tpu.bitcast %and3A_468 : vector<16xi32> -> vector<16xf32>
          %swap3A_470 = arith.index_cast %mul3A_205 : i32 to index
          %swap3A_471 = arith.constant 96 : index
          %swap3A_472 = tpu.vector_load %arg9[%swap3A_470, %swap3A_471] {strides = array<i32>} : memref<128x128xf32, #tpu.memory_space<vmem>>, vector<16xf32>,
          tpu.vector_store %arg9[%swap3A_470, %swap3A_471], %bitcast_convert_type3A_466 {strides = array<i32>} : memref<128x128xf32, #tpu.memory_space<vmem>>, vector<16xf32>,
          %swap3A_473 = arith.index_cast %mul3A_205 : i32 to index
          %swap3A_474 = arith.constant 112 : index
          %swap3A_475 = tpu.vector_load %arg9[%swap3A_473, %swap3A_474] {strides = array<i32>} : memref<128x128xf32, #tpu.memory_space<vmem>>, vector<16xf32>,
          tpu.vector_store %arg9[%swap3A_473, %swap3A_474], %bitcast_convert_type3A_469 {strides = array<i32>} : memref<128x128xf32, #tpu.memory_space<vmem>>, vector<16xf32>,
          %mul3A_476 = arith.constant 2 : i32
          %mul3A_477 = arith.muli %mul3A_476, %scan3A_197 : i32
          %add3A_478 = arith.constant 1 : i32
          %add3A_479 = arith.addi %mul3A_477, %add3A_478 : i32
          %slice3A_480 = vector.extract_strided_slice %and3A_203 {offsets = [8], sizes = [1], strides = [1]} : vector<16xi32> to vector<1xi32>
          %squeeze3A_481 = vector.extract %slice3A_480[0] : i32 from vector<1xi32>
          %mul3A_482 = arith.constant 64 : i32
          %mul3A_483 = arith.muli %squeeze3A_481, %mul3A_482 : i32
          %add3A_484 = arith.constant 0 : i32
          %add3A_485 = arith.addi %mul3A_483, %add3A_484 : i32
          %get3A_486 = arith.index_cast %add3A_485 : i32 to index
          %get3A_487 = tpu.vector_load %arg7[%get3A_486] {strides = array<i32>} : memref<65536xi32, #tpu.memory_space<vmem>>, vector<16xi32>,
          %bitcast3A_488 = vector.bitcast %get3A_487 : vector<16xi32> to vector<32xbf16>
          %add3A_489 = arith.constant 16 : i32
          %add3A_490 = arith.addi %mul3A_483, %add3A_489 : i32
          %get3A_491 = arith.index_cast %add3A_490 : i32 to index
          %get3A_492 = tpu.vector_load %arg7[%get3A_491] {strides = array<i32>} : memref<65536xi32, #tpu.memory_space<vmem>>, vector<16xi32>,
          %bitcast3A_493 = vector.bitcast %get3A_492 : vector<16xi32> to vector<32xbf16>
          %add3A_494 = arith.constant 32 : i32
          %add3A_495 = arith.addi %mul3A_483, %add3A_494 : i32
          %get3A_496 = arith.index_cast %add3A_495 : i32 to index
          %get3A_497 = tpu.vector_load %arg7[%get3A_496] {strides = array<i32>} : memref<65536xi32, #tpu.memory_space<vmem>>, vector<16xi32>,
          %bitcast3A_498 = vector.bitcast %get3A_497 : vector<16xi32> to vector<32xbf16>
          %add3A_499 = arith.constant 48 : i32
          %add3A_500 = arith.addi %mul3A_483, %add3A_499 : i32
          %get3A_501 = arith.index_cast %add3A_500 : i32 to index
          %get3A_502 = tpu.vector_load %arg7[%get3A_501] {strides = array<i32>} : memref<65536xi32, #tpu.memory_space<vmem>>, vector<16xi32>,
          %bitcast3A_503 = vector.bitcast %get3A_502 : vector<16xi32> to vector<32xbf16>
          %slice3A_504 = vector.extract_strided_slice %and3A_203 {offsets = [9], sizes = [1], strides = [1]} : vector<16xi32> to vector<1xi32>
          %squeeze3A_505 = vector.extract %slice3A_504[0] : i32 from vector<1xi32>
          %mul3A_506 = arith.constant 64 : i32
          %mul3A_507 = arith.muli %squeeze3A_505, %mul3A_506 : i32
          %add3A_508 = arith.constant 0 : i32
          %add3A_509 = arith.addi %mul3A_507, %add3A_508 : i32
          %get3A_510 = arith.index_cast %add3A_509 : i32 to index
          %get3A_511 = tpu.vector_load %arg7[%get3A_510] {strides = array<i32>} : memref<65536xi32, #tpu.memory_space<vmem>>, vector<16xi32>,
          %bitcast3A_512 = vector.bitcast %get3A_511 : vector<16xi32> to vector<32xbf16>
          %add3A_513 = arith.constant 16 : i32
          %add3A_514 = arith.addi %mul3A_507, %add3A_513 : i32
          %get3A_515 = arith.index_cast %add3A_514 : i32 to index
          %get3A_516 = tpu.vector_load %arg7[%get3A_515] {strides = array<i32>} : memref<65536xi32, #tpu.memory_space<vmem>>, vector<16xi32>,
          %bitcast3A_517 = vector.bitcast %get3A_516 : vector<16xi32> to vector<32xbf16>
          %add3A_518 = arith.constant 32 : i32
          %add3A_519 = arith.addi %mul3A_507, %add3A_518 : i32
          %get3A_520 = arith.index_cast %add3A_519 : i32 to index
          %get3A_521 = tpu.vector_load %arg7[%get3A_520] {strides = array<i32>} : memref<65536xi32, #tpu.memory_space<vmem>>, vector<16xi32>,
          %bitcast3A_522 = vector.bitcast %get3A_521 : vector<16xi32> to vector<32xbf16>
          %add3A_523 = arith.constant 48 : i32
          %add3A_524 = arith.addi %mul3A_507, %add3A_523 : i32
          %get3A_525 = arith.index_cast %add3A_524 : i32 to index
          %get3A_526 = tpu.vector_load %arg7[%get3A_525] {strides = array<i32>} : memref<65536xi32, #tpu.memory_space<vmem>>, vector<16xi32>,
          %bitcast3A_527 = vector.bitcast %get3A_526 : vector<16xi32> to vector<32xbf16>
          %slice3A_528 = vector.extract_strided_slice %and3A_203 {offsets = [10], sizes = [1], strides = [1]} : vector<16xi32> to vector<1xi32>
          %squeeze3A_529 = vector.extract %slice3A_528[0] : i32 from vector<1xi32>
          %mul3A_530 = arith.constant 64 : i32
          %mul3A_531 = arith.muli %squeeze3A_529, %mul3A_530 : i32
          %add3A_532 = arith.constant 0 : i32
          %add3A_533 = arith.addi %mul3A_531, %add3A_532 : i32
          %get3A_534 = arith.index_cast %add3A_533 : i32 to index
          %get3A_535 = tpu.vector_load %arg7[%get3A_534] {strides = array<i32>} : memref<65536xi32, #tpu.memory_space<vmem>>, vector<16xi32>,
          %bitcast3A_536 = vector.bitcast %get3A_535 : vector<16xi32> to vector<32xbf16>
          %add3A_537 = arith.constant 16 : i32
          %add3A_538 = arith.addi %mul3A_531, %add3A_537 : i32
          %get3A_539 = arith.index_cast %add3A_538 : i32 to index
          %get3A_540 = tpu.vector_load %arg7[%get3A_539] {strides = array<i32>} : memref<65536xi32, #tpu.memory_space<vmem>>, vector<16xi32>,
          %bitcast3A_541 = vector.bitcast %get3A_540 : vector<16xi32> to vector<32xbf16>
          %add3A_542 = arith.constant 32 : i32
          %add3A_543 = arith.addi %mul3A_531, %add3A_542 : i32
          %get3A_544 = arith.index_cast %add3A_543 : i32 to index
          %get3A_545 = tpu.vector_load %arg7[%get3A_544] {strides = array<i32>} : memref<65536xi32, #tpu.memory_space<vmem>>, vector<16xi32>,
          %bitcast3A_546 = vector.bitcast %get3A_545 : vector<16xi32> to vector<32xbf16>
          %add3A_547 = arith.constant 48 : i32
          %add3A_548 = arith.addi %mul3A_531, %add3A_547 : i32
          %get3A_549 = arith.index_cast %add3A_548 : i32 to index
          %get3A_550 = tpu.vector_load %arg7[%get3A_549] {strides = array<i32>} : memref<65536xi32, #tpu.memory_space<vmem>>, vector<16xi32>,
          %bitcast3A_551 = vector.bitcast %get3A_550 : vector<16xi32> to vector<32xbf16>
          %add3A_552 = arith.addf %bitcast3A_488, %bitcast3A_536 : vector<32xbf16>
          %add3A_553 = arith.addf %bitcast3A_493, %bitcast3A_541 : vector<32xbf16>
          %add3A_554 = arith.addf %bitcast3A_498, %bitcast3A_546 : vector<32xbf16>
          %add3A_555 = arith.addf %bitcast3A_503, %bitcast3A_551 : vector<32xbf16>
          %slice3A_556 = vector.extract_strided_slice %and3A_203 {offsets = [11], sizes = [1], strides = [1]} : vector<16xi32> to vector<1xi32>
          %squeeze3A_557 = vector.extract %slice3A_556[0] : i32 from vector<1xi32>
          %mul3A_558 = arith.constant 64 : i32
          %mul3A_559 = arith.muli %squeeze3A_557, %mul3A_558 : i32
          %add3A_560 = arith.constant 0 : i32
          %add3A_561 = arith.addi %mul3A_559, %add3A_560 : i32
          %get3A_562 = arith.index_cast %add3A_561 : i32 to index
          %get3A_563 = tpu.vector_load %arg7[%get3A_562] {strides = array<i32>} : memref<65536xi32, #tpu.memory_space<vmem>>, vector<16xi32>,
          %bitcast3A_564 = vector.bitcast %get3A_563 : vector<16xi32> to vector<32xbf16>
          %add3A_565 = arith.constant 16 : i32
          %add3A_566 = arith.addi %mul3A_559, %add3A_565 : i32
          %get3A_567 = arith.index_cast %add3A_566 : i32 to index
          %get3A_568 = tpu.vector_load %arg7[%get3A_567] {strides = array<i32>} : memref<65536xi32, #tpu.memory_space<vmem>>, vector<16xi32>,
          %bitcast3A_569 = vector.bitcast %get3A_568 : vector<16xi32> to vector<32xbf16>
          %add3A_570 = arith.constant 32 : i32
          %add3A_571 = arith.addi %mul3A_559, %add3A_570 : i32
          %get3A_572 = arith.index_cast %add3A_571 : i32 to index
          %get3A_573 = tpu.vector_load %arg7[%get3A_572] {strides = array<i32>} : memref<65536xi32, #tpu.memory_space<vmem>>, vector<16xi32>,
          %bitcast3A_574 = vector.bitcast %get3A_573 : vector<16xi32> to vector<32xbf16>
          %add3A_575 = arith.constant 48 : i32
          %add3A_576 = arith.addi %mul3A_559, %add3A_575 : i32
          %get3A_577 = arith.index_cast %add3A_576 : i32 to index
          %get3A_578 = tpu.vector_load %arg7[%get3A_577] {strides = array<i32>} : memref<65536xi32, #tpu.memory_space<vmem>>, vector<16xi32>,
          %bitcast3A_579 = vector.bitcast %get3A_578 : vector<16xi32> to vector<32xbf16>
          %add3A_580 = arith.addf %bitcast3A_512, %bitcast3A_564 : vector<32xbf16>
          %add3A_581 = arith.addf %bitcast3A_517, %bitcast3A_569 : vector<32xbf16>
          %add3A_582 = arith.addf %bitcast3A_522, %bitcast3A_574 : vector<32xbf16>
          %add3A_583 = arith.addf %bitcast3A_527, %bitcast3A_579 : vector<32xbf16>
          %slice3A_584 = vector.extract_strided_slice %and3A_203 {offsets = [12], sizes = [1], strides = [1]} : vector<16xi32> to vector<1xi32>
          %squeeze3A_585 = vector.extract %slice3A_584[0] : i32 from vector<1xi32>
          %mul3A_586 = arith.constant 64 : i32
          %mul3A_587 = arith.muli %squeeze3A_585, %mul3A_586 : i32
          %add3A_588 = arith.constant 0 : i32
          %add3A_589 = arith.addi %mul3A_587, %add3A_588 : i32
          %get3A_590 = arith.index_cast %add3A_589 : i32 to index
          %get3A_591 = tpu.vector_load %arg7[%get3A_590] {strides = array<i32>} : memref<65536xi32, #tpu.memory_space<vmem>>, vector<16xi32>,
          %bitcast3A_592 = vector.bitcast %get3A_591 : vector<16xi32> to vector<32xbf16>
          %add3A_593 = arith.constant 16 : i32
          %add3A_594 = arith.addi %mul3A_587, %add3A_593 : i32
          %get3A_595 = arith.index_cast %add3A_594 : i32 to index
          %get3A_596 = tpu.vector_load %arg7[%get3A_595] {strides = array<i32>} : memref<65536xi32, #tpu.memory_space<vmem>>, vector<16xi32>,
          %bitcast3A_597 = vector.bitcast %get3A_596 : vector<16xi32> to vector<32xbf16>
          %add3A_598 = arith.constant 32 : i32
          %add3A_599 = arith.addi %mul3A_587, %add3A_598 : i32
          %get3A_600 = arith.index_cast %add3A_599 : i32 to index
          %get3A_601 = tpu.vector_load %arg7[%get3A_600] {strides = array<i32>} : memref<65536xi32, #tpu.memory_space<vmem>>, vector<16xi32>,
          %bitcast3A_602 = vector.bitcast %get3A_601 : vector<16xi32> to vector<32xbf16>
          %add3A_603 = arith.constant 48 : i32
          %add3A_604 = arith.addi %mul3A_587, %add3A_603 : i32
          %get3A_605 = arith.index_cast %add3A_604 : i32 to index
          %get3A_606 = tpu.vector_load %arg7[%get3A_605] {strides = array<i32>} : memref<65536xi32, #tpu.memory_space<vmem>>, vector<16xi32>,
          %bitcast3A_607 = vector.bitcast %get3A_606 : vector<16xi32> to vector<32xbf16>
          %add3A_608 = arith.addf %add3A_552, %bitcast3A_592 : vector<32xbf16>
          %add3A_609 = arith.addf %add3A_553, %bitcast3A_597 : vector<32xbf16>
          %add3A_610 = arith.addf %add3A_554, %bitcast3A_602 : vector<32xbf16>
          %add3A_611 = arith.addf %add3A_555, %bitcast3A_607 : vector<32xbf16>
          %slice3A_612 = vector.extract_strided_slice %and3A_203 {offsets = [13], sizes = [1], strides = [1]} : vector<16xi32> to vector<1xi32>
          %squeeze3A_613 = vector.extract %slice3A_612[0] : i32 from vector<1xi32>
          %mul3A_614 = arith.constant 64 : i32
          %mul3A_615 = arith.muli %squeeze3A_613, %mul3A_614 : i32
          %add3A_616 = arith.constant 0 : i32
          %add3A_617 = arith.addi %mul3A_615, %add3A_616 : i32
          %get3A_618 = arith.index_cast %add3A_617 : i32 to index
          %get3A_619 = tpu.vector_load %arg7[%get3A_618] {strides = array<i32>} : memref<65536xi32, #tpu.memory_space<vmem>>, vector<16xi32>,
          %bitcast3A_620 = vector.bitcast %get3A_619 : vector<16xi32> to vector<32xbf16>
          %add3A_621 = arith.constant 16 : i32
          %add3A_622 = arith.addi %mul3A_615, %add3A_621 : i32
          %get3A_623 = arith.index_cast %add3A_622 : i32 to index
          %get3A_624 = tpu.vector_load %arg7[%get3A_623] {strides = array<i32>} : memref<65536xi32, #tpu.memory_space<vmem>>, vector<16xi32>,
          %bitcast3A_625 = vector.bitcast %get3A_624 : vector<16xi32> to vector<32xbf16>
          %add3A_626 = arith.constant 32 : i32
          %add3A_627 = arith.addi %mul3A_615, %add3A_626 : i32
          %get3A_628 = arith.index_cast %add3A_627 : i32 to index
          %get3A_629 = tpu.vector_load %arg7[%get3A_628] {strides = array<i32>} : memref<65536xi32, #tpu.memory_space<vmem>>, vector<16xi32>,
          %bitcast3A_630 = vector.bitcast %get3A_629 : vector<16xi32> to vector<32xbf16>
          %add3A_631 = arith.constant 48 : i32
          %add3A_632 = arith.addi %mul3A_615, %add3A_631 : i32
          %get3A_633 = arith.index_cast %add3A_632 : i32 to index
          %get3A_634 = tpu.vector_load %arg7[%get3A_633] {strides = array<i32>} : memref<65536xi32, #tpu.memory_space<vmem>>, vector<16xi32>,
          %bitcast3A_635 = vector.bitcast %get3A_634 : vector<16xi32> to vector<32xbf16>
          %add3A_636 = arith.addf %add3A_580, %bitcast3A_620 : vector<32xbf16>
          %add3A_637 = arith.addf %add3A_581, %bitcast3A_625 : vector<32xbf16>
          %add3A_638 = arith.addf %add3A_582, %bitcast3A_630 : vector<32xbf16>
          %add3A_639 = arith.addf %add3A_583, %bitcast3A_635 : vector<32xbf16>
          %slice3A_640 = vector.extract_strided_slice %and3A_203 {offsets = [14], sizes = [1], strides = [1]} : vector<16xi32> to vector<1xi32>
          %squeeze3A_641 = vector.extract %slice3A_640[0] : i32 from vector<1xi32>
          %mul3A_642 = arith.constant 64 : i32
          %mul3A_643 = arith.muli %squeeze3A_641, %mul3A_642 : i32
          %add3A_644 = arith.constant 0 : i32
          %add3A_645 = arith.addi %mul3A_643, %add3A_644 : i32
          %get3A_646 = arith.index_cast %add3A_645 : i32 to index
          %get3A_647 = tpu.vector_load %arg7[%get3A_646] {strides = array<i32>} : memref<65536xi32, #tpu.memory_space<vmem>>, vector<16xi32>,
          %bitcast3A_648 = vector.bitcast %get3A_647 : vector<16xi32> to vector<32xbf16>
          %add3A_649 = arith.constant 16 : i32
          %add3A_650 = arith.addi %mul3A_643, %add3A_649 : i32
          %get3A_651 = arith.index_cast %add3A_650 : i32 to index
          %get3A_652 = tpu.vector_load %arg7[%get3A_651] {strides = array<i32>} : memref<65536xi32, #tpu.memory_space<vmem>>, vector<16xi32>,
          %bitcast3A_653 = vector.bitcast %get3A_652 : vector<16xi32> to vector<32xbf16>
          %add3A_654 = arith.constant 32 : i32
          %add3A_655 = arith.addi %mul3A_643, %add3A_654 : i32
          %get3A_656 = arith.index_cast %add3A_655 : i32 to index
          %get3A_657 = tpu.vector_load %arg7[%get3A_656] {strides = array<i32>} : memref<65536xi32, #tpu.memory_space<vmem>>, vector<16xi32>,
          %bitcast3A_658 = vector.bitcast %get3A_657 : vector<16xi32> to vector<32xbf16>
          %add3A_659 = arith.constant 48 : i32
          %add3A_660 = arith.addi %mul3A_643, %add3A_659 : i32
          %get3A_661 = arith.index_cast %add3A_660 : i32 to index
          %get3A_662 = tpu.vector_load %arg7[%get3A_661] {strides = array<i32>} : memref<65536xi32, #tpu.memory_space<vmem>>, vector<16xi32>,
          %bitcast3A_663 = vector.bitcast %get3A_662 : vector<16xi32> to vector<32xbf16>
          %add3A_664 = arith.addf %add3A_608, %bitcast3A_648 : vector<32xbf16>
          %add3A_665 = arith.addf %add3A_609, %bitcast3A_653 : vector<32xbf16>
          %add3A_666 = arith.addf %add3A_610, %bitcast3A_658 : vector<32xbf16>
          %add3A_667 = arith.addf %add3A_611, %bitcast3A_663 : vector<32xbf16>
          %slice3A_668 = vector.extract_strided_slice %and3A_203 {offsets = [15], sizes = [1], strides = [1]} : vector<16xi32> to vector<1xi32>
          %squeeze3A_669 = vector.extract %slice3A_668[0] : i32 from vector<1xi32>
          %mul3A_670 = arith.constant 64 : i32
          %mul3A_671 = arith.muli %squeeze3A_669, %mul3A_670 : i32
          %add3A_672 = arith.constant 0 : i32
          %add3A_673 = arith.addi %mul3A_671, %add3A_672 : i32
          %get3A_674 = arith.index_cast %add3A_673 : i32 to index
          %get3A_675 = tpu.vector_load %arg7[%get3A_674] {strides = array<i32>} : memref<65536xi32, #tpu.memory_space<vmem>>, vector<16xi32>,
          %bitcast3A_676 = vector.bitcast %get3A_675 : vector<16xi32> to vector<32xbf16>
          %add3A_677 = arith.constant 16 : i32
          %add3A_678 = arith.addi %mul3A_671, %add3A_677 : i32
          %get3A_679 = arith.index_cast %add3A_678 : i32 to index
          %get3A_680 = tpu.vector_load %arg7[%get3A_679] {strides = array<i32>} : memref<65536xi32, #tpu.memory_space<vmem>>, vector<16xi32>,
          %bitcast3A_681 = vector.bitcast %get3A_680 : vector<16xi32> to vector<32xbf16>
          %add3A_682 = arith.constant 32 : i32
          %add3A_683 = arith.addi %mul3A_671, %add3A_682 : i32
          %get3A_684 = arith.index_cast %add3A_683 : i32 to index
          %get3A_685 = tpu.vector_load %arg7[%get3A_684] {strides = array<i32>} : memref<65536xi32, #tpu.memory_space<vmem>>, vector<16xi32>,
          %bitcast3A_686 = vector.bitcast %get3A_685 : vector<16xi32> to vector<32xbf16>
          %add3A_687 = arith.constant 48 : i32
          %add3A_688 = arith.addi %mul3A_671, %add3A_687 : i32
          %get3A_689 = arith.index_cast %add3A_688 : i32 to index
          %get3A_690 = tpu.vector_load %arg7[%get3A_689] {strides = array<i32>} : memref<65536xi32, #tpu.memory_space<vmem>>, vector<16xi32>,
          %bitcast3A_691 = vector.bitcast %get3A_690 : vector<16xi32> to vector<32xbf16>
          %add3A_692 = arith.addf %add3A_636, %bitcast3A_676 : vector<32xbf16>
          %add3A_693 = arith.addf %add3A_637, %bitcast3A_681 : vector<32xbf16>
          %add3A_694 = arith.addf %add3A_638, %bitcast3A_686 : vector<32xbf16>
          %add3A_695 = arith.addf %add3A_639, %bitcast3A_691 : vector<32xbf16>
          %add3A_696 = arith.addf %add3A_664, %add3A_692 : vector<32xbf16>
          %add3A_697 = arith.addf %add3A_665, %add3A_693 : vector<32xbf16>
          %add3A_698 = arith.addf %add3A_666, %add3A_694 : vector<32xbf16>
          %add3A_699 = arith.addf %add3A_667, %add3A_695 : vector<32xbf16>
          %bitcast3A_700 = vector.bitcast %add3A_696 : vector<32xbf16> to vector<16xi32>
          %shift_left3A_701 = arith.constant 16 : i32
          %shift_left3A_702 = vector.broadcast %shift_left3A_701 : i32 to vector<16xi32>
          %shift_left3A_703 = arith.shli %bitcast3A_700, %shift_left3A_702 : vector<16xi32>
          %bitcast_convert_type3A_704 = tpu.bitcast %shift_left3A_703 : vector<16xi32> -> vector<16xf32>
          %and3A_705 = vector.broadcast %scan3A_139 : i32 to vector<16xi32>
          %and3A_706 = arith.andi %bitcast3A_700, %and3A_705 : vector<16xi32>
          %bitcast_convert_type3A_707 = tpu.bitcast %and3A_706 : vector<16xi32> -> vector<16xf32>
          %swap3A_708 = arith.index_cast %add3A_479 : i32 to index
          %swap3A_709 = arith.constant 0 : index
          %swap3A_710 = tpu.vector_load %arg9[%swap3A_708, %swap3A_709] {strides = array<i32>} : memref<128x128xf32, #tpu.memory_space<vmem>>, vector<16xf32>,
          tpu.vector_store %arg9[%swap3A_708, %swap3A_709], %bitcast_convert_type3A_704 {strides = array<i32>} : memref<128x128xf32, #tpu.memory_space<vmem>>, vector<16xf32>,
          %swap3A_711 = arith.index_cast %add3A_479 : i32 to index
          %swap3A_712 = arith.constant 16 : index
          %swap3A_713 = tpu.vector_load %arg9[%swap3A_711, %swap3A_712] {strides = array<i32>} : memref<128x128xf32, #tpu.memory_space<vmem>>, vector<16xf32>,
          tpu.vector_store %arg9[%swap3A_711, %swap3A_712], %bitcast_convert_type3A_707 {strides = array<i32>} : memref<128x128xf32, #tpu.memory_space<vmem>>, vector<16xf32>,
          %bitcast3A_714 = vector.bitcast %add3A_697 : vector<32xbf16> to vector<16xi32>
          %shift_left3A_715 = arith.constant 16 : i32
          %shift_left3A_716 = vector.broadcast %shift_left3A_715 : i32 to vector<16xi32>
          %shift_left3A_717 = arith.shli %bitcast3A_714, %shift_left3A_716 : vector<16xi32>
          %bitcast_convert_type3A_718 = tpu.bitcast %shift_left3A_717 : vector<16xi32> -> vector<16xf32>
          %and3A_719 = vector.broadcast %scan3A_139 : i32 to vector<16xi32>
          %and3A_720 = arith.andi %bitcast3A_714, %and3A_719 : vector<16xi32>
          %bitcast_convert_type3A_721 = tpu.bitcast %and3A_720 : vector<16xi32> -> vector<16xf32>
          %swap3A_722 = arith.index_cast %add3A_479 : i32 to index
          %swap3A_723 = arith.constant 32 : index
          %swap3A_724 = tpu.vector_load %arg9[%swap3A_722, %swap3A_723] {strides = array<i32>} : memref<128x128xf32, #tpu.memory_space<vmem>>, vector<16xf32>,
          tpu.vector_store %arg9[%swap3A_722, %swap3A_723], %bitcast_convert_type3A_718 {strides = array<i32>} : memref<128x128xf32, #tpu.memory_space<vmem>>, vector<16xf32>,
          %swap3A_725 = arith.index_cast %add3A_479 : i32 to index
          %swap3A_726 = arith.constant 48 : index
          %swap3A_727 = tpu.vector_load %arg9[%swap3A_725, %swap3A_726] {strides = array<i32>} : memref<128x128xf32, #tpu.memory_space<vmem>>, vector<16xf32>,
          tpu.vector_store %arg9[%swap3A_725, %swap3A_726], %bitcast_convert_type3A_721 {strides = array<i32>} : memref<128x128xf32, #tpu.memory_space<vmem>>, vector<16xf32>,
          %bitcast3A_728 = vector.bitcast %add3A_698 : vector<32xbf16> to vector<16xi32>
          %shift_left3A_729 = arith.constant 16 : i32
          %shift_left3A_730 = vector.broadcast %shift_left3A_729 : i32 to vector<16xi32>
          %shift_left3A_731 = arith.shli %bitcast3A_728, %shift_left3A_730 : vector<16xi32>
          %bitcast_convert_type3A_732 = tpu.bitcast %shift_left3A_731 : vector<16xi32> -> vector<16xf32>
          %and3A_733 = vector.broadcast %scan3A_139 : i32 to vector<16xi32>
          %and3A_734 = arith.andi %bitcast3A_728, %and3A_733 : vector<16xi32>
          %bitcast_convert_type3A_735 = tpu.bitcast %and3A_734 : vector<16xi32> -> vector<16xf32>
          %swap3A_736 = arith.index_cast %add3A_479 : i32 to index
          %swap3A_737 = arith.constant 64 : index
          %swap3A_738 = tpu.vector_load %arg9[%swap3A_736, %swap3A_737] {strides = array<i32>} : memref<128x128xf32, #tpu.memory_space<vmem>>, vector<16xf32>,
          tpu.vector_store %arg9[%swap3A_736, %swap3A_737], %bitcast_convert_type3A_732 {strides = array<i32>} : memref<128x128xf32, #tpu.memory_space<vmem>>, vector<16xf32>,
          %swap3A_739 = arith.index_cast %add3A_479 : i32 to index
          %swap3A_740 = arith.constant 80 : index
          %swap3A_741 = tpu.vector_load %arg9[%swap3A_739, %swap3A_740] {strides = array<i32>} : memref<128x128xf32, #tpu.memory_space<vmem>>, vector<16xf32>,
          tpu.vector_store %arg9[%swap3A_739, %swap3A_740], %bitcast_convert_type3A_735 {strides = array<i32>} : memref<128x128xf32, #tpu.memory_space<vmem>>, vector<16xf32>,
          %bitcast3A_742 = vector.bitcast %add3A_699 : vector<32xbf16> to vector<16xi32>
          %shift_left3A_743 = arith.constant 16 : i32
          %shift_left3A_744 = vector.broadcast %shift_left3A_743 : i32 to vector<16xi32>
          %shift_left3A_745 = arith.shli %bitcast3A_742, %shift_left3A_744 : vector<16xi32>
          %bitcast_convert_type3A_746 = tpu.bitcast %shift_left3A_745 : vector<16xi32> -> vector<16xf32>
          %and3A_747 = vector.broadcast %scan3A_139 : i32 to vector<16xi32>
          %and3A_748 = arith.andi %bitcast3A_742, %and3A_747 : vector<16xi32>
          %bitcast_convert_type3A_749 = tpu.bitcast %and3A_748 : vector<16xi32> -> vector<16xf32>
          %swap3A_750 = arith.index_cast %add3A_479 : i32 to index
          %swap3A_751 = arith.constant 96 : index
          %swap3A_752 = tpu.vector_load %arg9[%swap3A_750, %swap3A_751] {strides = array<i32>} : memref<128x128xf32, #tpu.memory_space<vmem>>, vector<16xf32>,
          tpu.vector_store %arg9[%swap3A_750, %swap3A_751], %bitcast_convert_type3A_746 {strides = array<i32>} : memref<128x128xf32, #tpu.memory_space<vmem>>, vector<16xf32>,
          %swap3A_753 = arith.index_cast %add3A_479 : i32 to index
          %swap3A_754 = arith.constant 112 : index
          %swap3A_755 = tpu.vector_load %arg9[%swap3A_753, %swap3A_754] {strides = array<i32>} : memref<128x128xf32, #tpu.memory_space<vmem>>, vector<16xf32>,
          tpu.vector_store %arg9[%swap3A_753, %swap3A_754], %bitcast_convert_type3A_749 {strides = array<i32>} : memref<128x128xf32, #tpu.memory_space<vmem>>, vector<16xf32>,
        }
        %scan3A_192 = arith.constant 64 : i32
        %dma_start3A_193 = arith.constant 0 : i32
        %dma_start3A_194 = tpu.memref_slice %arg4[%add3A_176, %dma_start3A_193] : memref<100000x128xf32, #tpu.memory_space<hbm>> -> memref<128x128xf32, #tpu.memory_space<hbm>>
        %dma_start3A_195 = arith.constant 0 : i32
        %dma_start3A_196 = tpu.memref_slice %arg4[%add3A_176, %dma_start3A_195] : memref<100000x128xf32, #tpu.memory_space<hbm>> -> memref<128x128xf32, #tpu.memory_space<hbm>>
        tpu.enqueue_dma source(%arg9 : memref<128x128xf32, #tpu.memory_space<vmem>>) target(%dma_start3A_196 : memref<128x128xf32, #tpu.memory_space<hbm>>) target_semaphore(%arg11 : memref<!tpu.dma_semaphore, #tpu.memory_space<semaphore_mem>>)
      } else {
      }
    }
    %scan3A_144 = arith.constant 13 : i32
    %dma_wait3A_145 = arith.constant 0 : i32
    %dma_wait3A_146 = arith.constant 0 : i32
    %dma_wait3A_147 = tpu.memref_slice %arg4[%dma_wait3A_145, %dma_wait3A_146] : memref<100000x128xf32, #tpu.memory_space<hbm>> -> memref<128x128xf32, #tpu.memory_space<hbm>>
    %dma_wait3A_148 = arith.constant 0 : i32
    %dma_wait3A_149 = arith.constant 0 : i32
    %dma_wait3A_150 = tpu.memref_slice %arg4[%dma_wait3A_148, %dma_wait3A_149] : memref<100000x128xf32, #tpu.memory_space<hbm>> -> memref<128x128xf32, #tpu.memory_space<hbm>>
    tpu.wait_dma2 semaphore(%arg10 : memref<!tpu.dma_semaphore, #tpu.memory_space<semaphore_mem>>) src(%arg8 : memref<128x128xf32, #tpu.memory_space<vmem>>) dst(%dma_wait3A_150 : memref<128x128xf32, #tpu.memory_space<hbm>>)
    %dma_wait3A_151 = arith.constant 0 : i32
    %dma_wait3A_152 = arith.constant 0 : i32
    %dma_wait3A_153 = tpu.memref_slice %arg4[%dma_wait3A_151, %dma_wait3A_152] : memref<100000x128xf32, #tpu.memory_space<hbm>> -> memref<128x128xf32, #tpu.memory_space<hbm>>
    %dma_wait3A_154 = arith.constant 0 : i32
    %dma_wait3A_155 = arith.constant 0 : i32
    %dma_wait3A_156 = tpu.memref_slice %arg4[%dma_wait3A_154, %dma_wait3A_155] : memref<100000x128xf32, #tpu.memory_space<hbm>> -> memref<128x128xf32, #tpu.memory_space<hbm>>
    tpu.wait_dma2 semaphore(%arg11 : memref<!tpu.dma_semaphore, #tpu.memory_space<semaphore_mem>>) src(%arg9 : memref<128x128xf32, #tpu.memory_space<vmem>>) dst(%dma_wait3A_156 : memref<128x128xf32, #tpu.memory_space<hbm>>)
    return
  }
}

module attributes {stable_mosaic.version = 14 : i64} {
  func.func @_table_body(%arg0: memref<56x2x128xf32, #tpu.memory_space<vmem>>, %arg1: memref<1024x128xf32, #tpu.memory_space<vmem>>) attributes {dimension_semantics = [], scalar_prefetch = 0 : i64, scratch_operands = 0 : i64, tpu.core_type = #tpu.core_type<tc>} {
    %iota3A = tpu.iota {dimensions = array<i32: 0>} : vector<1024x56xi32>
    %iota3A_0 = tpu.iota {dimensions = array<i32: 1>} : vector<1024x56xi32>
    %jit3A = arith.constant 128 : i32
    %div3A = vector.broadcast %jit3A : i32 to vector<1024x56xi32>
    %div3A_1 = arith.divsi %iota3A, %div3A : vector<1024x56xi32>
    %sign3A = arith.constant 0 : i32
    %sign3A_2 = vector.broadcast %sign3A : i32 to vector<1024x56xi32>
    %sign3A_3 = arith.cmpi sgt, %iota3A, %sign3A_2 : vector<1024x56xi32>
    %sign3A_4 = arith.extui %sign3A_3 : vector<1024x56xi1> to vector<1024x56xi32>
    %sign3A_5 = arith.constant 0 : i32
    %sign3A_6 = vector.broadcast %sign3A_5 : i32 to vector<1024x56xi32>
    %sign3A_7 = arith.cmpi slt, %iota3A, %sign3A_6 : vector<1024x56xi32>
    %sign3A_8 = arith.extui %sign3A_7 : vector<1024x56xi1> to vector<1024x56xi32>
    %sign3A_9 = arith.subi %sign3A_4, %sign3A_8 : vector<1024x56xi32>
    %sign3A_10 = arith.constant 0 : i32
    %sign3A_11 = arith.cmpi sgt, %jit3A, %sign3A_10 : i32
    %sign3A_12 = arith.extui %sign3A_11 : i1 to i32
    %sign3A_13 = arith.constant 0 : i32
    %sign3A_14 = arith.cmpi slt, %jit3A, %sign3A_13 : i32
    %sign3A_15 = arith.extui %sign3A_14 : i1 to i32
    %sign3A_16 = arith.subi %sign3A_12, %sign3A_15 : i32
    %ne3A = vector.broadcast %sign3A_16 : i32 to vector<1024x56xi32>
    %ne3A_17 = arith.cmpi ne, %sign3A_9, %ne3A : vector<1024x56xi32>
    %rem3A = vector.broadcast %jit3A : i32 to vector<1024x56xi32>
    %rem3A_18 = arith.remsi %iota3A, %rem3A : vector<1024x56xi32>
    %ne3A_19 = arith.constant 0 : i32
    %ne3A_20 = vector.broadcast %ne3A_19 : i32 to vector<1024x56xi32>
    %ne3A_21 = arith.cmpi ne, %rem3A_18, %ne3A_20 : vector<1024x56xi32>
    %and3A = arith.andi %ne3A_17, %ne3A_21 : vector<1024x56xi1>
    %sub3A = arith.constant 1 : i32
    %sub3A_22 = vector.broadcast %sub3A : i32 to vector<1024x56xi32>
    %sub3A_23 = arith.subi %div3A_1, %sub3A_22 : vector<1024x56xi32>
    %select_n3A = arith.select %and3A, %sub3A_23, %div3A_1 : vector<1024x56xi1>, vector<1024x56xi32>
    %jit3A_24 = arith.constant 128 : i32
    %eq3A = arith.constant 0 : i32
    %eq3A_25 = arith.cmpi eq, %jit3A_24, %eq3A : i32
    %jit3A_26 = arith.constant 1 : i32
    %select_n3A_27 = arith.select %eq3A_25, %jit3A_26, %jit3A_24 : i32
    %rem3A_28 = vector.broadcast %select_n3A_27 : i32 to vector<1024x56xi32>
    %rem3A_29 = arith.remsi %iota3A, %rem3A_28 : vector<1024x56xi32>
    %ne3A_30 = arith.constant 0 : i32
    %ne3A_31 = vector.broadcast %ne3A_30 : i32 to vector<1024x56xi32>
    %ne3A_32 = arith.cmpi ne, %rem3A_29, %ne3A_31 : vector<1024x56xi32>
    %lt3A = arith.constant 0 : i32
    %lt3A_33 = vector.broadcast %lt3A : i32 to vector<1024x56xi32>
    %lt3A_34 = arith.cmpi slt, %rem3A_29, %lt3A_33 : vector<1024x56xi32>
    %lt3A_35 = arith.constant 0 : i32
    %lt3A_36 = arith.cmpi slt, %select_n3A_27, %lt3A_35 : i32
    %ne3A_37 = vector.broadcast %lt3A_36 : i1 to vector<1024x56xi1>
    %ne3A_38 = vector.broadcast %ne3A_37 : vector<1024x56xi1> to vector<1024x56xi1>
    %ne3A_39 = arith.xori %lt3A_34, %ne3A_38 : vector<1024x56xi1>
    %and3A_40 = arith.andi %ne3A_39, %ne3A_32 : vector<1024x56xi1>
    %add3A = vector.broadcast %select_n3A_27 : i32 to vector<1024x56xi32>
    %add3A_41 = arith.addi %rem3A_29, %add3A : vector<1024x56xi32>
    %select_n3A_42 = arith.select %and3A_40, %add3A_41, %rem3A_29 : vector<1024x56xi1>, vector<1024x56xi32>
    %mul3A = arith.constant 7 : i32
    %mul3A_43 = vector.broadcast %mul3A : i32 to vector<1024x56xi32>
    %mul3A_44 = arith.muli %select_n3A, %mul3A_43 : vector<1024x56xi32>
    %sub3A_45 = arith.subi %iota3A_0, %mul3A_44 : vector<1024x56xi32>
    %ge3A = arith.constant 0 : i32
    %ge3A_46 = vector.broadcast %ge3A : i32 to vector<1024x56xi32>
    %ge3A_47 = arith.cmpi sge, %sub3A_45, %ge3A_46 : vector<1024x56xi32>
    %lt3A_48 = arith.constant 7 : i32
    %lt3A_49 = vector.broadcast %lt3A_48 : i32 to vector<1024x56xi32>
    %lt3A_50 = arith.cmpi slt, %sub3A_45, %lt3A_49 : vector<1024x56xi32>
    %and3A_51 = arith.andi %ge3A_47, %lt3A_50 : vector<1024x56xi1>
    %jit3A_52 = arith.constant 0 : i32
    %jit3A_53 = arith.constant 6 : i32
    %max3A = vector.broadcast %jit3A_52 : i32 to vector<1024x56xi32>
    %max3A_54 = arith.maxsi %max3A, %sub3A_45 : vector<1024x56xi32>
    %min3A = vector.broadcast %jit3A_53 : i32 to vector<1024x56xi32>
    %min3A_55 = arith.minsi %min3A, %max3A_54 : vector<1024x56xi32>
    %shift_right_arithmetic3A = arith.shrsi %select_n3A_42, %min3A_55 : vector<1024x56xi32>
    %and3A_56 = arith.constant 1 : i32
    %and3A_57 = vector.broadcast %and3A_56 : i32 to vector<1024x56xi32>
    %and3A_58 = arith.andi %shift_right_arithmetic3A, %and3A_57 : vector<1024x56xi32>
    %get3A = arith.constant 0 : index
    %get3A_59 = arith.constant 0 : index
    %get3A_60 = arith.constant 0 : index
    %get3A_61 = vector.load %arg0[%get3A, %get3A_59, %get3A_60] : memref<56x2x128xf32, #tpu.memory_space<vmem>>, vector<56x2x128xf32>
    %eq3A_62 = arith.constant 1 : i32
    %eq3A_63 = vector.broadcast %eq3A_62 : i32 to vector<1024x56xi32>
    %eq3A_64 = arith.cmpi eq, %and3A_58, %eq3A_63 : vector<1024x56xi32>
    %and3A_65 = arith.andi %and3A_51, %eq3A_64 : vector<1024x56xi1>
    %convert_element_type3A = arith.extui %and3A_65 : vector<1024x56xi1> to vector<1024x56xi32>
    %convert_element_type3A_66 = arith.sitofp %convert_element_type3A : vector<1024x56xi32> to vector<1024x56xf32>
    %eq3A_67 = arith.constant 0 : i32
    %eq3A_68 = vector.broadcast %eq3A_67 : i32 to vector<1024x56xi32>
    %eq3A_69 = arith.cmpi eq, %and3A_58, %eq3A_68 : vector<1024x56xi32>
    %and3A_70 = arith.andi %and3A_51, %eq3A_69 : vector<1024x56xi1>
    %convert_element_type3A_71 = arith.extui %and3A_70 : vector<1024x56xi1> to vector<1024x56xi32>
    %convert_element_type3A_72 = arith.sitofp %convert_element_type3A_71 : vector<1024x56xi32> to vector<1024x56xf32>
    %slice3A = vector.extract_strided_slice %get3A_61 {offsets = [0, 1, 0], sizes = [56, 1, 128], strides = [1, 1, 1]} : vector<56x2x128xf32> to vector<56x1x128xf32>
    %squeeze3A = vector.shape_cast %slice3A : vector<56x1x128xf32> to vector<56x128xf32>
    %dot_general3A = arith.constant dense<0.000000e+00> : vector<1024x128xf32>
    %dot_general3A_73 = tpu.matmul %convert_element_type3A_66, %squeeze3A, %dot_general3A {dimension_numbers = #tpu.dot_dimension_numbers<[1], [0], [0], [1], [0, 0, 1, 1], [], []>, transpose_lhs_hint = false} : vector<1024x56xf32>, vector<56x128xf32>, vector<1024x128xf32> -> vector<1024x128xf32>
    %slice3A_74 = vector.extract_strided_slice %get3A_61 {offsets = [0, 0, 0], sizes = [56, 1, 128], strides = [1, 1, 1]} : vector<56x2x128xf32> to vector<56x1x128xf32>
    %squeeze3A_75 = vector.shape_cast %slice3A_74 : vector<56x1x128xf32> to vector<56x128xf32>
    %dot_general3A_76 = arith.constant dense<0.000000e+00> : vector<1024x128xf32>
    %dot_general3A_77 = tpu.matmul %convert_element_type3A_72, %squeeze3A_75, %dot_general3A_76 {dimension_numbers = #tpu.dot_dimension_numbers<[1], [0], [0], [1], [0, 0, 1, 1], [], []>, transpose_lhs_hint = false} : vector<1024x56xf32>, vector<56x128xf32>, vector<1024x128xf32> -> vector<1024x128xf32>
    %add3A_78 = arith.addf %dot_general3A_73, %dot_general3A_77 : vector<1024x128xf32>
    %swap3A = arith.constant 0 : index
    %swap3A_79 = arith.constant 0 : index
    %swap3A_80 = vector.load %arg1[%swap3A, %swap3A_79] : memref<1024x128xf32, #tpu.memory_space<vmem>>, vector<1024x128xf32>
    tpu.vector_store %arg1[%swap3A, %swap3A_79], %add3A_78 {strides = array<i32>} : memref<1024x128xf32, #tpu.memory_space<vmem>>, vector<1024x128xf32>,
    return
  }
}

module attributes {stable_mosaic.version = 14 : i64} {
  func.func @_pack_body(%arg0: i32, %arg1: memref<56x4096xi32, #tpu.memory_space<vmem>>, %arg2: memref<8x4096xi32, #tpu.memory_space<vmem>>) attributes {dimension_semantics = [#tpu.dimension_semantics<arbitrary>], iteration_bounds = array<i64: 25>, scalar_prefetch = 0 : i64, scratch_operands = 0 : i64, tpu.core_type = #tpu.core_type<tc>, window_params = [{transform_indices = @transform_0, window_bounds = array<i64: 56, 4096>}, {transform_indices = @transform_1, window_bounds = array<i64: 8, 4096>}]} {
    %iota3A = tpu.iota {dimensions = array<i32: 0>} : vector<56x8xi32>
    %iota3A_0 = tpu.iota {dimensions = array<i32: 1>} : vector<56x8xi32>
    %jit3A = arith.constant 7 : i32
    %div3A = vector.broadcast %jit3A : i32 to vector<56x8xi32>
    %div3A_1 = arith.divsi %iota3A, %div3A : vector<56x8xi32>
    %sign3A = arith.constant 0 : i32
    %sign3A_2 = vector.broadcast %sign3A : i32 to vector<56x8xi32>
    %sign3A_3 = arith.cmpi sgt, %iota3A, %sign3A_2 : vector<56x8xi32>
    %sign3A_4 = arith.extui %sign3A_3 : vector<56x8xi1> to vector<56x8xi32>
    %sign3A_5 = arith.constant 0 : i32
    %sign3A_6 = vector.broadcast %sign3A_5 : i32 to vector<56x8xi32>
    %sign3A_7 = arith.cmpi slt, %iota3A, %sign3A_6 : vector<56x8xi32>
    %sign3A_8 = arith.extui %sign3A_7 : vector<56x8xi1> to vector<56x8xi32>
    %sign3A_9 = arith.subi %sign3A_4, %sign3A_8 : vector<56x8xi32>
    %sign3A_10 = arith.constant 0 : i32
    %sign3A_11 = arith.cmpi sgt, %jit3A, %sign3A_10 : i32
    %sign3A_12 = arith.extui %sign3A_11 : i1 to i32
    %sign3A_13 = arith.constant 0 : i32
    %sign3A_14 = arith.cmpi slt, %jit3A, %sign3A_13 : i32
    %sign3A_15 = arith.extui %sign3A_14 : i1 to i32
    %sign3A_16 = arith.subi %sign3A_12, %sign3A_15 : i32
    %ne3A = vector.broadcast %sign3A_16 : i32 to vector<56x8xi32>
    %ne3A_17 = arith.cmpi ne, %sign3A_9, %ne3A : vector<56x8xi32>
    %rem3A = vector.broadcast %jit3A : i32 to vector<56x8xi32>
    %rem3A_18 = arith.remsi %iota3A, %rem3A : vector<56x8xi32>
    %ne3A_19 = arith.constant 0 : i32
    %ne3A_20 = vector.broadcast %ne3A_19 : i32 to vector<56x8xi32>
    %ne3A_21 = arith.cmpi ne, %rem3A_18, %ne3A_20 : vector<56x8xi32>
    %and3A = arith.andi %ne3A_17, %ne3A_21 : vector<56x8xi1>
    %sub3A = arith.constant 1 : i32
    %sub3A_22 = vector.broadcast %sub3A : i32 to vector<56x8xi32>
    %sub3A_23 = arith.subi %div3A_1, %sub3A_22 : vector<56x8xi32>
    %select_n3A = arith.select %and3A, %sub3A_23, %div3A_1 : vector<56x8xi1>, vector<56x8xi32>
    %eq3A = arith.cmpi eq, %select_n3A, %iota3A_0 : vector<56x8xi32>
    %jit3A_24 = arith.constant 7 : i32
    %eq3A_25 = arith.constant 0 : i32
    %eq3A_26 = arith.cmpi eq, %jit3A_24, %eq3A_25 : i32
    %jit3A_27 = arith.constant 1 : i32
    %select_n3A_28 = arith.select %eq3A_26, %jit3A_27, %jit3A_24 : i32
    %rem3A_29 = vector.broadcast %select_n3A_28 : i32 to vector<56x8xi32>
    %rem3A_30 = arith.remsi %iota3A, %rem3A_29 : vector<56x8xi32>
    %ne3A_31 = arith.constant 0 : i32
    %ne3A_32 = vector.broadcast %ne3A_31 : i32 to vector<56x8xi32>
    %ne3A_33 = arith.cmpi ne, %rem3A_30, %ne3A_32 : vector<56x8xi32>
    %lt3A = arith.constant 0 : i32
    %lt3A_34 = vector.broadcast %lt3A : i32 to vector<56x8xi32>
    %lt3A_35 = arith.cmpi slt, %rem3A_30, %lt3A_34 : vector<56x8xi32>
    %lt3A_36 = arith.constant 0 : i32
    %lt3A_37 = arith.cmpi slt, %select_n3A_28, %lt3A_36 : i32
    %ne3A_38 = vector.broadcast %lt3A_37 : i1 to vector<56x8xi1>
    %ne3A_39 = vector.broadcast %ne3A_38 : vector<56x8xi1> to vector<56x8xi1>
    %ne3A_40 = arith.xori %lt3A_35, %ne3A_39 : vector<56x8xi1>
    %and3A_41 = arith.andi %ne3A_40, %ne3A_33 : vector<56x8xi1>
    %add3A = vector.broadcast %select_n3A_28 : i32 to vector<56x8xi32>
    %add3A_42 = arith.addi %rem3A_30, %add3A : vector<56x8xi32>
    %select_n3A_43 = arith.select %and3A_41, %add3A_42, %rem3A_30 : vector<56x8xi1>, vector<56x8xi32>
    %shift_left3A = arith.constant 1 : i32
    %shift_left3A_44 = vector.broadcast %shift_left3A : i32 to vector<56x8xi32>
    %shift_left3A_45 = arith.shli %shift_left3A_44, %select_n3A_43 : vector<56x8xi32>
    %jit3A_46 = arith.constant 0 : i32
    %broadcast_in_dim3A = vector.broadcast %jit3A_46 : i32 to vector<56x8xi32>
    %select_n3A_47 = arith.select %eq3A, %shift_left3A_45, %broadcast_in_dim3A : vector<56x8xi1>, vector<56x8xi32>
    %convert_element_type3A = arith.sitofp %select_n3A_47 : vector<56x8xi32> to vector<56x8xf32>
    %get3A = arith.constant 0 : index
    %get3A_48 = arith.constant 0 : index
    %get3A_49 = vector.load %arg1[%get3A, %get3A_48] : memref<56x4096xi32, #tpu.memory_space<vmem>>, vector<56x4096xi32>
    %convert_element_type3A_50 = arith.sitofp %get3A_49 : vector<56x4096xi32> to vector<56x4096xf32>
    %dot_general3A = arith.constant dense<0.000000e+00> : vector<8x4096xf32>
    %dot_general3A_51 = tpu.matmul %convert_element_type3A, %convert_element_type3A_50, %dot_general3A {dimension_numbers = #tpu.dot_dimension_numbers<[0], [0], [1], [1], [0, 1, 1, 1], [], []>, transpose_lhs_hint = false} : vector<56x8xf32>, vector<56x4096xf32>, vector<8x4096xf32> -> vector<8x4096xf32>
    %iota3A_52 = tpu.iota {dimensions = array<i32: 0>} : vector<8x4096xi32>
    %convert_element_type3A_53 = arith.fptosi %dot_general3A_51 : vector<8x4096xf32> to vector<8x4096xi32>
    %mul3A = arith.constant 128 : i32
    %mul3A_54 = vector.broadcast %mul3A : i32 to vector<8x4096xi32>
    %mul3A_55 = arith.muli %iota3A_52, %mul3A_54 : vector<8x4096xi32>
    %add3A_56 = arith.addi %convert_element_type3A_53, %mul3A_55 : vector<8x4096xi32>
    %swap3A = arith.constant 0 : index
    %swap3A_57 = arith.constant 0 : index
    %swap3A_58 = vector.load %arg2[%swap3A, %swap3A_57] : memref<8x4096xi32, #tpu.memory_space<vmem>>, vector<8x4096xi32>
    tpu.vector_store %arg2[%swap3A, %swap3A_57], %add3A_56 {strides = array<i32>} : memref<8x4096xi32, #tpu.memory_space<vmem>>, vector<8x4096xi32>,
    return
  }
  func.func @transform_0(%arg0: i32) -> (i32, i32) {
    %c0_i32 = arith.constant 0 : i32
    %c0_i32_0 = arith.constant 0 : i32
    return %c0_i32, %arg0 : i32, i32
  }
  func.func @transform_1(%arg0: i32) -> (i32, i32) {
    %c0_i32 = arith.constant 0 : i32
    %c0_i32_0 = arith.constant 0 : i32
    return %c0_i32, %arg0 : i32, i32
  }
}

</mosaic_0001>

<sc_bundles>
// kernel: kernel.5.cloned.1.call-start
scs
__scs_entry_jumppad:
0x0: {  	(pc) =	sbr.rel $0x88, $3  }
0x1: {  	(tag) =	ssettag $0x0;
	lr =	simm.s32 $0x1  }
0x2: {  	[smem:$0x3F9F] =	sst lr;
	_ =	strace $0xD0000000  }
0x3: {  	_ = 	snop  }
0x4: {  	_ = 	snop  }
0x5: {  	_ = 	snop  }
0x6: {  	_ = 	snop  }
0x7: {  	_ = 	snop  }
__scs_overlays_trampoline_lowered:
0x8: {  	[smem:$0x3FAE] =	sst s0  }
0x9: {  	[smem:$0x3FAF] =	sst s1  }
0xa: {  	[smem:$0x3FB0] =	sst s2  }
0xb: {  	[smem:$0x3FB1] =	sst s3  }
0xc: {  	[smem:$0x3FB2] =	sst s4  }
0xd: {  	[smem:$0x3FB3] =	sst s5  }
0xe: {  	[smem:$0x3FB4] =	sst s6  }
0xf: {  	[smem:$0x3FB5] =	sst s7  }
0x10: {  	[smem:$0x3FB6] =	sst s8  }
0x11: {  	[smem:$0x3FB7] =	sst s9;
	s0 =	simm.s32 @!p0 $0x0  }
0x12: {  	s1 =	sld [smem:$0x3F9D];
	s0 =	simm.s32 @p0 $0x1  }
0x13: {  	[smem:$0x3FB8] =	sst s0;
	s0 =	simm.s32 @!p1 $0x0  }
0x14: {  	s2 =	sld [smem:$0x3F9C];
	s0 =	simm.s32 @p1 $0x1  }
0x15: {  	[smem:$0x3FB9] =	sst s0;
	s0 =	simm.s32 @!p2 $0x0  }
0x16: {  	s3 =	sld [smem:$0x3FDB];
	s0 =	simm.s32 @p2 $0x1  }
0x17: {  	s4 =	simm.s32 $0x1BF5;
	[smem:$0x3FBB] =	sst s0  }
0x18: {  	s0 =	sld [smem:$0x3F9E];
	_ =	swait.ge [sflag:s4], $0x0  }
0x19: {  	s7 =	sld [smem:$0x3F9F]  }
0x1a: {  	s8 =	sadd.s32 $0xFFFFE003, lr  }
0x1b: {  	s9 =	sadd.s32 $0xFFFFFEF7, lr;
	s5 =	simm.s32 $0xFFFFFFFF;
	p2 =	slt.u32 s8, $0xFFFFF086  }
0x1c: {  	p1 =	slt.u32 s9, $0xF7A;
	s5 =	simm.s32 @!p2 $0x0  }
0x1d: {  	s5 =	simm.s32 @p1 $0x1;
	p0 =	seq.s32 s7, s2  }
0x1e: {  	s7 =	smul.u32 @!p0 $0xF7A, s2;
	p2 =	seq.s32 @!p0 s5, $0x0  }
0x1f: {  	s9 =	smul.u32 $0xF7A, s1;
	s8 =	simm.s32 @!p0 $0x1BF5;
	p2 =	por !p2, p0  }
0x20: {  	[sflag:s8] =	ssyncset.s32 @!p0 $0xFFFFF086;
	s6 =	sadd.s32 @!p0 s3, s7;
	s7 =	simm.s32 @!p0 $0x108  }
0x21: {  	s3 =	sadd.s32 s3, s9;
	s6 =	sadd.s32 @!p0 $0x88, s6;
	s7 =	simm.s32 @p2 $0x1082  }
0x22: {  	[simem:s7], [sflag:s8] =	dma.local @!p0 [hbm:s6], $0xF7A  }
0x23: {  	s9 =	sor.u32 $0xD0000000, s2;
	s6 =	simm.s32 $0x108;
	_ =	swait.ge @!p0 [sflag:s8], $0x0  }
0x24: {  	s3 =	sadd.s32 $0x88, s3;
	s6 =	simm.s32 @!p1 $0x1082;
	[sflag:s4] =	ssyncset.s32 $0xFFFFF086  }
0x25: {  	[simem:s6], [sflag:s4] =	dma.local [hbm:s3], $0xF7A  }
0x26: {  	[smem:$0x3F9F] =	sst s1;
	(tag) =	ssettag s2;
	_ =	strace s9  }
0x27: {  	s1 =	sld [smem:$0x3FAF]  }
0x28: {  	s2 =	sld [smem:$0x3FB0]  }
0x29: {  	s4 =	sld [smem:$0x3FB2]  }
0x2a: {  	p0 =	seq.s32 s5, $0x0;
	s5 =	sld [smem:$0x3FB3]  }
0x2b: {  	s6 =	sld [smem:$0x3FB4]  }
0x2c: {  	s7 =	sld [smem:$0x3FB5]  }
0x2d: {  	s3 =	simm.s32 $0x108;
	s8 =	sld [smem:$0x3FB6]  }
0x2e: {  	s3 =	simm.s32 @!p0 $0x1082;
	s9 =	sld [smem:$0x3FB7]  }
0x2f: {  	lr =	sadd.s32 s0, s3;
	s0 =	sld [smem:$0x3FAE]  }
0x30: {  	s3 =	sld [smem:$0x3FB1]  }
0x31: {  	[smem:$0x3FBA] =	sst s10  }
0x32: {  	s10 =	sld [smem:$0x3FB8];
	_ =	sdelay $0x3  }
0x33: {  	p0 =	seq.s32 s10, $0x1;
	s10 =	sld [smem:$0x3FBA];
	_ =	sdelay $0x3  }
0x34: {  	[smem:$0x3FBA] =	sst s10  }
0x35: {  	s10 =	sld [smem:$0x3FB9];
	_ =	sdelay $0x3  }
0x36: {  	p1 =	seq.s32 s10, $0x1;
	s10 =	sld [smem:$0x3FBA];
	_ =	sdelay $0x3  }
0x37: {  	[smem:$0x3FBA] =	sst s10  }
0x38: {  	s10 =	sld [smem:$0x3FBB]  }
0x39: {  	_ = 	snop;
	(pc) =	sbr.ind lr, $3  }
0x3a: {  	_ = 	snop  }
0x3b: {  	_ = 	snop  }
0x3c: {  	p2 =	seq.s32 s10, $0x1;
	s10 =	sld [smem:$0x3FBA]  }
0x3d: {  	_ =	shalt  }
0x3e: {  	_ =	shalt  }
0x3f: {  	_ =	shalt  }
0x40: {  	_ =	shalt  }
0x41: {  	_ =	shalt  }
0x42: {  	_ =	shalt  }
0x43: {  	_ =	shalt  }
0x44: {  	_ =	shalt  }
0x45: {  	_ =	shalt  }
0x46: {  	_ =	shalt  }
0x47: {  	_ =	shalt  }
0x48: {  	_ =	shalt  }
0x49: {  	_ =	shalt  }
0x4a: {  	_ =	shalt  }
0x4b: {  	_ =	shalt  }
0x4c: {  	_ =	shalt  }
0x4d: {  	_ =	shalt  }
0x4e: {  	_ =	shalt  }
0x4f: {  	_ =	shalt  }
0x50: {  	_ =	shalt  }
0x51: {  	_ =	shalt  }
0x52: {  	_ =	shalt  }
0x53: {  	_ =	shalt  }
0x54: {  	_ =	shalt  }
0x55: {  	_ =	shalt  }
0x56: {  	_ =	shalt  }
0x57: {  	_ =	shalt  }
0x58: {  	_ =	shalt  }
0x59: {  	_ =	shalt  }
0x5a: {  	_ =	shalt  }
0x5b: {  	_ =	shalt  }
0x5c: {  	_ =	shalt  }
0x5d: {  	_ =	shalt  }
0x5e: {  	_ =	shalt  }
0x5f: {  	_ =	shalt  }
0x60: {  	_ =	shalt  }
0x61: {  	_ =	shalt  }
0x62: {  	_ =	shalt  }
0x63: {  	_ =	shalt  }
0x64: {  	_ =	shalt  }
0x65: {  	_ =	shalt  }
0x66: {  	_ =	shalt  }
0x67: {  	_ =	shalt  }
0x68: {  	_ =	shalt  }
0x69: {  	_ =	shalt  }
0x6a: {  	_ =	shalt  }
0x6b: {  	_ =	shalt  }
0x6c: {  	_ =	shalt  }
0x6d: {  	_ =	shalt  }
0x6e: {  	_ =	shalt  }
0x6f: {  	_ =	shalt  }
0x70: {  	_ =	shalt  }
0x71: {  	_ =	shalt  }
0x72: {  	_ =	shalt  }
0x73: {  	_ =	shalt  }
0x74: {  	_ =	shalt  }
0x75: {  	_ =	shalt  }
0x76: {  	_ =	shalt  }
0x77: {  	_ =	shalt  }
0x78: {  	_ =	shalt  }
0x79: {  	_ =	shalt  }
0x7a: {  	_ =	shalt  }
0x7b: {  	_ =	shalt  }
0x7c: {  	_ =	shalt  }
0x7d: {  	_ =	shalt  }
0x7e: {  	_ =	shalt  }
0x7f: {  	_ =	shalt  }
0x80: {  	_ =	shalt  }
0x81: {  	_ =	shalt  }
0x82: {  	_ =	shalt  }
0x83: {  	_ =	shalt  }
0x84: {  	_ =	shalt  }
0x85: {  	_ =	shalt  }
0x86: {  	_ =	shalt  }
0x87: {  	_ =	shalt  }
.Lfunc_end0:
.L_simem_size_0:
called_computation_lowered:
.L_overlay_start_0:
0x88: {  	s2 =	sld [smem:$0x3FD9]  }
0x89: {  	s3 =	sld [smem:$0x3FFE];
	_ =	sdelay $0x1  }
0x8a: {  	s1 =	srdreg.scid  }
0x8b: {  	s0 =	sand.u32 $0x1, s1  }
0x8c: {  	s17 =	sshll.u32 s0, $0xA;
	s2 =	sadd.s32 s3, s2  }
0x8d: {  	s2 =	sadd.s32 s2, s17  }
0x8e: {  	[smem:$0x3FC6] =	sst s2  }
0x8f: {  	_ = 	snop  }
0x90: {  	s2 =	sld [smem:$0x3FD0];
	(tm) =	ssettm $0x1  }
0x91: {  	s18 =	sld [smem:$0x3FFB];
	_ =	sdelay $0x3  }
0x92: {  	_ =	strace s18  }
0x93: {  	s3 =	sld [smem:$0x3FFC];
	_ =	sdelay $0x3  }
0x94: {  	_ =	strace s3  }
0x95: {  	s3 =	sld [smem:$0x3FFD];
	_ =	sdelay $0x3  }
0x96: {  	_ =	strace s3  }
0x97: {  	_ =	strace $0x8FFFFFFF  }
0x98: {  	s19 =	sld [smem:$0x3FDB];
	_ =	sdelay $0x1  }
0x99: {  	s4 =	simm.s32 $_scs_section_size  }
0x9a: {  	s5 =	simm.s32 $_size__tile_overlayer_lowered;
	s6 =	simm.s32 $_tile_overlayer_lowered  }
0x9b: {  	s22 =	simm.s32 $0x1BFF;
	s21 =	sshll.u32 s6, $0x1;
	s3 =	sadd.s32 s4, s19  }
0x9c: {  	s7 =	simm.s32 $0x0;
	s20 =	sshll.u32 s5, $0x1;
	s5 =	sadd.s32 s21, s3  }
0x9d: {  	[timem:s7], [sflag:s22] =	dma.local [hbm:s5], s20  }
0x9e: {  	_ =	swait.ge [sflag:s22], s20  }
0x9f: {  	s4 =	ssub.s32 $0x0, s20;
	[sflag:s22] =	ssyncset.done $0x0  }
0xa0: {  	[sflag:s22] =	ssyncadd.s32 s4;
	_ =	sdelay $0x1  }
0xa1: {  	s23 =	simm.s32 $0x1B8B  }
0xa2: {  	_ =	swait.ge [sflag:s23], $0x1  }
0xa3: {  	[sflag:s23] =	ssyncset.done $0x0  }
0xa4: {  	s25 =	simm.s32 $0x1B8E;
	s24 =	sld [smem:$0x3FFE];
	[sflag:s23] =	ssyncadd.s32 $0xFFFFFFFF  }
0xa5: {  	s26 =	simm.s32 $execute0_lowered;
	[smem:$0x3FD2] =	sst s25  }
0xa6: {  	s5 =	sshll.u32 s26, $0x1;
	_ =	strace $0x80000046;
	[dreg:$0x1] =	wrdreg $0xFFFFFFFF  }
0xa7: {  	s28 =	simm.s32 $_size_execute0_lowered;
	s3 =	sadd.s32 s3, s5;
	[dreg:$0x0] =	wrdreg $0x0  }
0xa8: {  	s5 =	sshll.u32 s28, $0x1;
	[dreg:$0x2] =	wrdreg s3  }
0xa9: {  	[dreg:$0x3] =	wrdreg s5  }
0xaa: {  	[dreg:$0x4] =	wrdreg $0xC0  }
0xab: {  	_ =	task [dreg:s7], $0x5FFFF  }
0xac: {  	[dreg:$0x1] =	wrdreg $0xFFFFFFFF  }
0xad: {  	[dreg:$0x0] =	wrdreg $0x60  }
0xae: {  	[dreg:$0x2] =	wrdreg s24  }
0xaf: {  	[dreg:$0x3] =	wrdreg s2  }
0xb0: {  	[dreg:$0x4] =	wrdreg $0x9  }
0xb1: {  	_ =	task.clear_ibuf [dreg:s7], $0x5FFFF;
	_ =	strace $0x90000046  }
0xb2: {  	s29 =	simm.s32 $0x9;
	_ =	strace $0x80000048  }
0xb3: {  	_ =	swait.ge [sflag:s29], $0x1  }
0xb4: {  	[sflag:s29] =	ssyncadd.s32 $0xFFFFFFFF  }
0xb5: {  	_ =	strace $0x90000048  }
0xb6: {  	_ =	sfence  }
0xb7: {  	s30 =	sld [smem:$0x0];
	_ =	sdelay $0x2  }
0xb8: {  	s31 =	sshll.u32 s1, $0xD;
	s1 =	sshrl.u32 s1, $0x2  }
0xb9: {  	s3 =	sand.u32 $0x4000, s31;
	s1 =	sadd.s32 s1, s30  }
0xba: {  	s0 =	sor.u32 s3, s0;
	s1 =	sshll.u32 s1, $0x11  }
0xbb: {  	s0 =	sor.u32 s1, s0  }
0xbc: {  	s0 =	sadd.s32 $0x8F2B, s0  }
0xbd: {  	[sflag:s0] =	ssyncadd.remote.s32 $0x1  }
0xbe: {  	_ =	sfence.sel $0xFFFF  }
0xbf: {  	[dreg:$0x0] =	wrdreg $0xFFFFFFFF;
	(pc) =	sbr.abs _section_cstart, $3  }
0xc0: {  	[dreg:$0x1] =	wrdreg $0xFFFFFFFF  }
0xc1: {  	_ =	task.clear_ibuf [dreg:s7], $0x2FFFF;
	_ =	strace $0x9FFFFFFF  }
0xc2: {  	(tm) =	ssettm $0x7FFFFFFF  }
0xc3: {  	_ =	shalt  }
tec
execute0_lowered:
.L_overlay_start_1:
0x0: {  	(tag) =	ssettag $0x1  }
0x1: {  	s0 =	srdreg.scid;
	s1 =	rddreg [dreg:$0x0]  }
0x2: {  	s8 =	stileid.u32;
	s2 =	rddreg [dreg:$0x1];
	s28 =	simm.s32 $0x6400  }
0x3: {  	s29 =	simm.s32 $0x16800;
	s0 =	sand.u32 $0x1, s0;
	s3 =	sshll.u32 s8, $0x1  }
0x4: {  	s30 =	simm.s32 $0x1A800;
	s13 =	smul.u32 $0x1900, s8;
	s4 =	sor.u32 s0, s3  }
0x5: {  	s3 =	simm.s32 $0x0;
	s6 =	ssub.s32 $0x2, s0;
	s0 =	smul.u32 $0xC80, s0  }
0x6: {  	s31 =	simm.s32 $0x2;
	s4 =	smul.u32 $0xC80, s4;
	[smem:$0x7FF] =	sst s3  }
0x7: {  	s25 =	sshrl.u32 s6, $0x1;
	_ =	strace $0x80000047;
	s0 =	sadd.s32 s13, s0  }
0x8: {  	s5 =	sshrl.u32 s4, $0x3;
	s7 =	ssub.s32 $0x186A0, s4;
	s0 =	ssub.s32 $0x186A0, s0  }
0x9: {  	s14 =	sadd.s32 s5, s1;
	s5 =	sadd.s32 $0x600, s1;
	s15 =	smin.u32 s7, $0xC80  }
0xa: {  	v0 =	vlaneseq.u32;
	s1 =	ssub.s32 s6, s25;
	s0 =	smin.u32 s0, $0xC80;
	s26 =	sadd.s32 $0x60, s15  }
.Ltmp0:
0xb: {  	v0 =	vmul.u32 $0x8, v0;
	s7 =	sadd.s32 $0x2600, s14;
	s8 =	sadd.s32 $0x5800, s14;
	(pc) =	sbr.rel .LBB2_1-.Ltmp0, $4  }
0xc: {  	s9 =	sadd.s32 $0x8A00, s14;
	s10 =	sadd.s32 $0xBC00, s14;
	s11 =	sadd.s32 $0xEE00, s14  }
0xd: {  	v1 =	vor.u32 $0x1, v0;
	s12 =	sadd.s32 $0x12000, s14;
	s13 =	sadd.s32 $0x15200, s14;
	s14 =	sadd.s32 $0x18400, s14  }
0xe: {  	v2 =	vor.u32 $0x2, v0;
	v3 =	vor.u32 $0x3, v0;
	v4 =	vor.u32 $0x4, v0;
	s15 =	sadd.s32 $0xFFFFFF80, s15;
	s16 =	smax.u32 s1, $0x1;
	s17 =	sadd.s32 $0xFFFFFF80, s0  }
0xf: {  	v5 =	vor.u32 $0x5, v0;
	v6 =	vor.u32 $0x6, v0;
	v7 =	vor.u32 $0x7, v0;
	s1 =	simm.s32 $0x0;
	s6 =	sshrl.u32 s26, $0x7;
	s26 =	simm.s32 $0x1  }
.LBB2_15:
0x10: {  	s1 =	sadd.s32 $0x1, s1  }
0x11: {  	_ =	swait.ge [sflag:s26], $0x4000;
	p0 =	sne.s32 s1, s16  }
.Ltmp1:
0x12: {  	[sflag:s26] =	ssyncset.done $0x0;
	(pc) =	sbr.rel @!p0 .LBB2_16-.Ltmp1, $4  }
0x13: {  	[sflag:s26] =	ssyncadd.s32 $0xFFFFC000  }
0x14: {  	_ =	swait.ge [sflag:s31], $0x4000  }
0x15: {  	[sflag:s31] =	ssyncset.done $0x0  }
0x16: {  	[sflag:s31] =	ssyncadd.s32 $0xFFFFC000  }
.LBB2_1:
0x17: {  	s0 =	simm.s32 $0x6800  }
0x18: {  	[tilespmem:s0], [sflag:$0x1] =	stream.linear.gather [hbm4b:s5+s3], $0x10000, $0x38;
	[tilespmem:$0x1E800] =	vst v63  }
0x19: {  	_ = 	snop  }
0x1a: {  	[tilespmem:s3], [sflag:$0x1] =	stream.linear.gather [hbm4b:s7+s3], $0xC80, $0x38;
	[tilespmem:$0x1E800] =	vst v63  }
0x1b: {  	s19 =	simm.s32 $0xC80  }
0x1c: {  	[tilespmem:s19], [sflag:$0x1] =	stream.linear.gather [hbm4b:s8+s3], $0xC80, $0x38;
	[tilespmem:$0x1E800] =	vst v63  }
0x1d: {  	s20 =	simm.s32 $0x1900  }
0x1e: {  	[tilespmem:s20], [sflag:$0x1] =	stream.linear.gather [hbm4b:s9+s3], $0xC80, $0x38;
	[tilespmem:$0x1E800] =	vst v63  }
0x1f: {  	s21 =	simm.s32 $0x2580  }
0x20: {  	[tilespmem:s21], [sflag:$0x1] =	stream.linear.gather [hbm4b:s10+s3], $0xC80, $0x38;
	[tilespmem:$0x1E800] =	vst v63  }
0x21: {  	s22 =	simm.s32 $0x3200  }
0x22: {  	[tilespmem:s22], [sflag:$0x1] =	stream.linear.gather [hbm4b:s11+s3], $0xC80, $0x38;
	[tilespmem:$0x1E800] =	vst v63  }
0x23: {  	s23 =	simm.s32 $0x3E80  }
0x24: {  	[tilespmem:s23], [sflag:$0x1] =	stream.linear.gather [hbm4b:s12+s3], $0xC80, $0x38;
	[tilespmem:$0x1E800] =	vst v63  }
0x25: {  	s24 =	simm.s32 $0x4B00  }
0x26: {  	[tilespmem:s24], [sflag:$0x1] =	stream.linear.gather [hbm4b:s13+s3], $0xC80, $0x38;
	[tilespmem:$0x1E800] =	vst v63  }
0x27: {  	s25 =	simm.s32 $0x5780  }
0x28: {  	[tilespmem:s25], [sflag:$0x1] =	stream.linear.gather [hbm4b:s14+s3], $0xC80, $0x38;
	[tilespmem:$0x1E800] =	vst v63  }
0x29: {  	_ =	swait.ge [sflag:s26], $0x10000  }
0x2a: {  	[sflag:s26] =	ssyncset.done $0x0  }
0x2b: {  	[sflag:s26] =	ssyncadd.s32 $0xFFFF0000  }
0x2c: {  	_ =	swait.ge [sflag:s26], $0xC80  }
0x2d: {  	[sflag:s26] =	ssyncset.done $0x0  }
0x2e: {  	[sflag:s26] =	ssyncadd.s32 $0xFFFFF380  }
0x2f: {  	_ =	swait.ge [sflag:s26], $0xC80  }
0x30: {  	[sflag:s26] =	ssyncset.done $0x0  }
0x31: {  	[sflag:s26] =	ssyncadd.s32 $0xFFFFF380  }
0x32: {  	_ =	swait.ge [sflag:s26], $0xC80  }
0x33: {  	[sflag:s26] =	ssyncset.done $0x0  }
0x34: {  	[sflag:s26] =	ssyncadd.s32 $0xFFFFF380  }
0x35: {  	_ =	swait.ge [sflag:s26], $0xC80  }
0x36: {  	[sflag:s26] =	ssyncset.done $0x0  }
0x37: {  	[sflag:s26] =	ssyncadd.s32 $0xFFFFF380  }
0x38: {  	_ =	swait.ge [sflag:s26], $0xC80  }
0x39: {  	[sflag:s26] =	ssyncset.done $0x0  }
0x3a: {  	[sflag:s26] =	ssyncadd.s32 $0xFFFFF380  }
0x3b: {  	_ =	swait.ge [sflag:s26], $0xC80  }
0x3c: {  	[sflag:s26] =	ssyncset.done $0x0  }
0x3d: {  	[sflag:s26] =	ssyncadd.s32 $0xFFFFF380  }
0x3e: {  	_ =	swait.ge [sflag:s26], $0xC80  }
.Ltmp2:
0x3f: {  	[sflag:s26] =	ssyncset.done $0x0;
	(pc) =	sbr.rel .LBB2_2-.Ltmp2, $4  }
0x40: {  	[sflag:s26] =	ssyncadd.s32 $0xFFFFF380  }
0x41: {  	_ =	swait.ge [sflag:s26], $0xC80  }
0x42: {  	s18 =	simm.s32 $0x0;
	[sflag:s26] =	ssyncset.done $0x0  }
0x43: {  	s0 =	simm.s32 $0x80;
	s19 =	simm.s32 $0x0;
	[sflag:s26] =	ssyncadd.s32 $0xFFFFF380  }
.LBB2_14:
0x44: {  	s19 =	sadd.s32 $0x1, s19  }
0x45: {  	p0 =	sne.s32 s19, $0xD  }
.Ltmp3:
0x46: {  	_ = 	snop;
	(pc) =	sbr.rel @!p0 .LBB2_15-.Ltmp3, $2  }
0x47: {  	_ =	sdelay $0x2  }
0x48: {  	s18 =	sadd.s32 $0x100, s18;
	s0 =	sadd.s32 $0x100, s0  }
.LBB2_2:
0x49: {  	s20 =	sshll.u32 s19, $0x1  }
0x4a: {  	p0 =	sge.u32 s20, s6  }
.Ltmp4:
0x4b: {  	_ = 	snop;
	(pc) =	sbr.rel @p0 .LBB2_8-.Ltmp4, $1  }
0x4c: {  	_ =	sdelay $0x3  }
0x4d: {  	p0 =	slt.s32 s18, s17  }
0x4e: {  	s21 =	smov.u32 s17;
	p1 =	seq.s32 s19, $0x0;
	s22 =	sshll.u32 s19, $0x8  }
0x4f: {  	s25 =	smov.u32 s15;
	s21 =	smov.u32 @p0 s18;
	s24 =	simm.s32 @!p1 $0x1  }
0x50: {  	p0 =	slt.s32 s22, s15;
	s21 =	sshll.u32 s21, $0x2;
	_ =	swait.ge @!p1 [sflag:s24], $0x4000  }
0x51: {  	s25 =	smov.u32 @p0 s22;
	s21 =	sshra.s32 s21, $0x2;
	[sflag:s24] =	ssyncset.done @!p1 $0x0  }
0x52: {  	s22 =	simm.s32 $0x0;
	s23 =	sadd.s32 $0x5780, s21;
	[sflag:s24] =	ssyncadd.s32 @!p1 $0xFFFFC000  }
0x53: {  	v9 =	vor.u32 s22, v0;
	s21 =	sadd.s32 s4, s25;
	s25 =	simm.s32 $0x80;
	s24 =	simm.s32 $0x0;
	v8 =	vld [tilespmem:s23+$0xFFFFA880]  }
.LBB2_4:
0x54: {  	p0 =	sne.s32 s25, $0x380;
	_ =	sdelay $0x3  }
0x55: {  	[tilespmem:v9+s28+$0x0] =	vst.idx.msk $0xffff, v8  }
0x56: {  	v9 =	vor.u32 s24, v1;
	v8 =	vld [tilespmem:s23+$0xFFFFB500];
	_ =	sdelay $0x4  }
0x57: {  	[tilespmem:v9+s28+$0x0] =	vst.idx.msk $0xffff, v8  }
0x58: {  	v9 =	vor.u32 s24, v2;
	v8 =	vld [tilespmem:s23+$0xFFFFC180];
	_ =	sdelay $0x4  }
0x59: {  	[tilespmem:v9+s28+$0x0] =	vst.idx.msk $0xffff, v8  }
0x5a: {  	v9 =	vor.u32 s24, v3;
	v8 =	vld [tilespmem:s23+$0xFFFFCE00];
	_ =	sdelay $0x4  }
0x5b: {  	[tilespmem:v9+s28+$0x0] =	vst.idx.msk $0xffff, v8  }
0x5c: {  	v9 =	vor.u32 s24, v4;
	v8 =	vld [tilespmem:s23+$0xFFFFDA80];
	_ =	sdelay $0x4  }
0x5d: {  	[tilespmem:v9+s28+$0x0] =	vst.idx.msk $0xffff, v8  }
0x5e: {  	v9 =	vor.u32 s24, v5;
	v8 =	vld [tilespmem:s23+$0xFFFFE700];
	_ =	sdelay $0x4  }
0x5f: {  	[tilespmem:v9+s28+$0x0] =	vst.idx.msk $0xffff, v8  }
0x60: {  	v9 =	vor.u32 s24, v6;
	v8 =	vld [tilespmem:s23+$0xFFFFF380];
	_ =	sdelay $0x4  }
0x61: {  	[tilespmem:v9+s28+$0x0] =	vst.idx.msk $0xffff, v8  }
0x62: {  	v9 =	vor.u32 s24, v7;
	s24 =	smov.u32 s25;
	v8 =	vld [tilespmem:s23+$0x0];
	_ =	sdelay $0x1  }
.Ltmp5:
0x63: {  	(pc) =	sbr.rel @p0 .LBB2_4-.Ltmp5, $3  }
0x64: {  	_ =	sdelay $0x1  }
0x65: {  	s23 =	sadd.s32 $0x10, s23;
	[tilespmem:v9+s28+$0x0] =	vst.idx.msk $0xffff, v8  }
0x66: {  	s25 =	sadd.s32 $0x80, s25;
	v9 =	vor.u32 s24, v0;
	v8 =	vld [tilespmem:s23+$0xFFFFA880]  }
0x67: {  	_ =	sdelay $0x3  }
0x68: {  	[tilespmem:v9+s28+$0x0] =	vst.idx.msk $0xffff, v8  }
0x69: {  	v57 =	vor.u32 s24, v1;
	v8 =	vld [tilespmem:s23+$0xFFFFB500];
	_ =	sdelay $0x4  }
0x6a: {  	[tilespmem:v57+s28+$0x0] =	vst.idx.msk $0xffff, v8  }
0x6b: {  	v58 =	vor.u32 s24, v2;
	v8 =	vld [tilespmem:s23+$0xFFFFC180];
	_ =	sdelay $0x4  }
0x6c: {  	[tilespmem:v58+s28+$0x0] =	vst.idx.msk $0xffff, v8  }
0x6d: {  	v59 =	vor.u32 s24, v3;
	v8 =	vld [tilespmem:s23+$0xFFFFCE00];
	_ =	sdelay $0x4  }
0x6e: {  	[tilespmem:v59+s28+$0x0] =	vst.idx.msk $0xffff, v8  }
0x6f: {  	v60 =	vor.u32 s24, v4;
	v8 =	vld [tilespmem:s23+$0xFFFFDA80];
	_ =	sdelay $0x4  }
0x70: {  	[tilespmem:v60+s28+$0x0] =	vst.idx.msk $0xffff, v8  }
0x71: {  	v61 =	vor.u32 s24, v5;
	v8 =	vld [tilespmem:s23+$0xFFFFE700];
	_ =	sdelay $0x4  }
0x72: {  	[tilespmem:v61+s28+$0x0] =	vst.idx.msk $0xffff, v8  }
0x73: {  	v62 =	vor.u32 s24, v6;
	v8 =	vld [tilespmem:s23+$0xFFFFF380];
	_ =	sdelay $0x4  }
0x74: {  	[tilespmem:v62+s28+$0x0] =	vst.idx.msk $0xffff, v8  }
0x75: {  	v63 =	vor.u32 s24, v7;
	v8 =	vld [tilespmem:s23+$0x0];
	_ =	sdelay $0x4  }
0x76: {  	s23 =	simm.s32 $0x16880;
	[tilespmem:v63+s28+$0x0] =	vst.idx.msk $0xffff, v8  }
.LBB2_6:
0x77: {  	s24 =	sshra.s32 s22, $0x2  }
0x78: {  	v8 =	vld [tilespmem:s24+$0x6400];
	_ =	sdelay $0x4  }
0x79: {  	v8 =	vand.u32 $0x3FF, v8  }
0x7a: {  	v8 =	vshll.u32 v8, $0x6  }
0x7b: {  	(v2sf) =	vpush v8, $0x0;
	_ =	sdelay $0x3  }
0x7c: {  	(v2sf) =	vpush v8, $0x1;
	_ =	sdelay $0x3  }
0x7d: {  	(v2sf) =	vpush v8, $0x2;
	_ =	sdelay $0x3  }
0x7e: {  	(v2sf) =	vpush v8, $0x3;
	_ =	sdelay $0x2  }
0x7f: {  	s25 =	spop (v2sf)  }
0x80: {  	(v2sf) =	vpush v8, $0x4;
	v9 =	vld [tilespmem:s25+$0x6800]  }
0x81: {  	v10 =	vld [tilespmem:s25+$0x6810]  }
0x82: {  	v11 =	vld [tilespmem:s25+$0x6820]  }
0x83: {  	v12 =	vld [tilespmem:s25+$0x6830];
	s25 =	spop (v2sf)  }
0x84: {  	(v2sf) =	vpush v8, $0x5;
	v13 =	vld [tilespmem:s25+$0x6800]  }
0x85: {  	v14 =	vld [tilespmem:s25+$0x6810]  }
0x86: {  	v15 =	vld [tilespmem:s25+$0x6820]  }
0x87: {  	v16 =	vld [tilespmem:s25+$0x6830];
	s25 =	spop (v2sf)  }
0x88: {  	(v2sf) =	vpush v8, $0x6;
	v17 =	vld [tilespmem:s25+$0x6800]  }
0x89: {  	v18 =	vld [tilespmem:s25+$0x6810];
	(v2sf) =	vpush v8, $0x7  }
0x8a: {  	v19 =	vld [tilespmem:s25+$0x6820]  }
0x8b: {  	v20 =	vld [tilespmem:s25+$0x6830];
	s25 =	spop (v2sf)  }
0x8c: {  	v21 =	vld [tilespmem:s25+$0x6800]  }
0x8d: {  	v22 =	vld [tilespmem:s25+$0x6810]  }
0x8e: {  	v23 =	vld [tilespmem:s25+$0x6820]  }
0x8f: {  	v24 =	vld [tilespmem:s25+$0x6830];
	s25 =	spop (v2sf)  }
0x90: {  	v25 =	vld [tilespmem:s25+$0x6800]  }
0x91: {  	v26 =	vld [tilespmem:s25+$0x6810]  }
0x92: {  	v27 =	vld [tilespmem:s25+$0x6820]  }
0x93: {  	v28 =	vld [tilespmem:s25+$0x6830];
	s25 =	spop (v2sf)  }
0x94: {  	v29 =	vld [tilespmem:s25+$0x6800]  }
0x95: {  	v30 =	vld [tilespmem:s25+$0x6810]  }
0x96: {  	v9 =	vadd.bf16 v17, v9;
	v10 =	vadd.bf16 v18, v10;
	v44 =	vld [tilespmem:s25+$0x6820]  }
0x97: {  	v11 =	vadd.bf16 v19, v11;
	v12 =	vadd.bf16 v20, v12;
	v45 =	vld [tilespmem:s25+$0x6830];
	s24 =	spop (v2sf)  }
0x98: {  	v13 =	vadd.bf16 v21, v13;
	v14 =	vadd.bf16 v22, v14;
	v46 =	vld [tilespmem:s24+$0x6800];
	s25 =	spop (v2sf)  }
0x99: {  	v15 =	vadd.bf16 v23, v15;
	(v2sf) =	vpush v8, $0x8;
	v47 =	vld [tilespmem:s25+$0x6800]  }
0x9a: {  	v16 =	vadd.bf16 v24, v16;
	(v2sf) =	vpush v8, $0x9;
	v48 =	vld [tilespmem:s24+$0x6810]  }
0x9b: {  	v49 =	vld [tilespmem:s25+$0x6810];
	v9 =	vadd.bf16 v25, v9;
	v10 =	vadd.bf16 v26, v10  }
0x9c: {  	v50 =	vld [tilespmem:s24+$0x6820];
	v11 =	vadd.bf16 v27, v11;
	v13 =	vadd.bf16 v29, v13  }
0x9d: {  	v51 =	vld [tilespmem:s25+$0x6820];
	v12 =	vadd.bf16 v28, v12;
	v14 =	vadd.bf16 v30, v14  }
0x9e: {  	v52 =	vld [tilespmem:s24+$0x6830];
	v9 =	vadd.bf16 v46, v9;
	v13 =	vadd.bf16 v47, v13  }
0x9f: {  	v53 =	vld [tilespmem:s25+$0x6830];
	v15 =	vadd.bf16 v44, v15;
	v10 =	vadd.bf16 v48, v10  }
0xa0: {  	v14 =	vadd.bf16 v49, v14;
	v9 =	vadd.bf16 v13, v9  }
0xa1: {  	v54 =	vadd.bf16 v45, v16;
	v11 =	vadd.bf16 v50, v11  }
0xa2: {  	v15 =	vadd.bf16 v51, v15;
	v10 =	vadd.bf16 v14, v10;
	v55 =	vshll.u32 v9, $0x10  }
0xa3: {  	(v2sf) =	vpush v8, $0xA;
	v12 =	vadd.bf16 v52, v12;
	v9 =	vand.u32 $0xFFFF0000, v9;
	[tilespmem:s23+$0xFFFFFF80] =	vst v55  }
0xa4: {  	v13 =	vadd.bf16 v53, v54;
	v11 =	vadd.bf16 v15, v11;
	v56 =	vshll.u32 v10, $0x10;
	[tilespmem:s23+$0xFFFFFF90] =	vst v9  }
0xa5: {  	v10 =	vand.u32 $0xFFFF0000, v10;
	[tilespmem:s23+$0xFFFFFFA0] =	vst v56  }
0xa6: {  	v57 =	vadd.bf16 v13, v12;
	v58 =	vshll.u32 v11, $0x10;
	[tilespmem:s23+$0xFFFFFFB0] =	vst v10  }
0xa7: {  	(v2sf) =	vpush v8, $0xB;
	v11 =	vand.u32 $0xFFFF0000, v11;
	[tilespmem:s23+$0xFFFFFFC0] =	vst v58  }
0xa8: {  	[tilespmem:s23+$0xFFFFFFD0] =	vst v11;
	v59 =	vshll.u32 v57, $0x10  }
0xa9: {  	v9 =	vand.u32 $0xFFFF0000, v57;
	[tilespmem:s23+$0xFFFFFFE0] =	vst v59  }
0xaa: {  	[tilespmem:s23+$0xFFFFFFF0] =	vst v9;
	s25 =	spop (v2sf)  }
0xab: {  	(v2sf) =	vpush v8, $0xC;
	v9 =	vld [tilespmem:s25+$0x6800]  }
0xac: {  	v10 =	vld [tilespmem:s25+$0x6810]  }
0xad: {  	v11 =	vld [tilespmem:s25+$0x6820]  }
0xae: {  	v60 =	vld [tilespmem:s25+$0x6830];
	s25 =	spop (v2sf)  }
0xaf: {  	(v2sf) =	vpush v8, $0xD;
	v61 =	vld [tilespmem:s25+$0x6800]  }
0xb0: {  	v14 =	vld [tilespmem:s25+$0x6810]  }
0xb1: {  	v62 =	vld [tilespmem:s25+$0x6820]  }
0xb2: {  	v63 =	vld [tilespmem:s25+$0x6830];
	s24 =	spop (v2sf)  }
0xb3: {  	(v2sf) =	vpush v8, $0xE;
	v33 =	vld [tilespmem:s24+$0x6800]  }
0xb4: {  	(v2sf) =	vpush v8, $0xF;
	v34 =	vld [tilespmem:s24+$0x6810]  }
0xb5: {  	v8 =	vld [tilespmem:s24+$0x6820]  }
0xb6: {  	s25 =	spop (v2sf);
	v35 =	vld [tilespmem:s24+$0x6830]  }
0xb7: {  	v36 =	vld [tilespmem:s25+$0x6800]  }
0xb8: {  	v37 =	vld [tilespmem:s25+$0x6810]  }
0xb9: {  	v38 =	vld [tilespmem:s25+$0x6820]  }
0xba: {  	s24 =	spop (v2sf);
	v39 =	vld [tilespmem:s25+$0x6830]  }
0xbb: {  	v40 =	vld [tilespmem:s24+$0x6800]  }
0xbc: {  	v41 =	vld [tilespmem:s24+$0x6810]  }
0xbd: {  	v42 =	vld [tilespmem:s24+$0x6820]  }
0xbe: {  	v43 =	vld [tilespmem:s24+$0x6830];
	s25 =	spop (v2sf)  }
0xbf: {  	v44 =	vld [tilespmem:s25+$0x6800]  }
0xc0: {  	v45 =	vld [tilespmem:s25+$0x6810]  }
0xc1: {  	v46 =	vld [tilespmem:s25+$0x6820]  }
0xc2: {  	v9 =	vadd.bf16 v33, v9;
	v10 =	vadd.bf16 v34, v10;
	s24 =	spop (v2sf);
	v47 =	vld [tilespmem:s25+$0x6830]  }
0xc3: {  	v8 =	vadd.bf16 v8, v11;
	v48 =	vadd.bf16 v35, v60;
	v49 =	vld [tilespmem:s24+$0x6800];
	s25 =	spop (v2sf)  }
0xc4: {  	v13 =	vadd.bf16 v36, v61;
	v14 =	vadd.bf16 v37, v14;
	v50 =	vld [tilespmem:s25+$0x6800]  }
0xc5: {  	v15 =	vadd.bf16 v38, v62;
	v16 =	vadd.bf16 v39, v63;
	v51 =	vld [tilespmem:s24+$0x6810]  }
0xc6: {  	v9 =	vadd.bf16 v40, v9;
	v10 =	vadd.bf16 v41, v10;
	v52 =	vld [tilespmem:s25+$0x6810]  }
0xc7: {  	v8 =	vadd.bf16 v42, v8;
	v53 =	vld [tilespmem:s24+$0x6820];
	v13 =	vadd.bf16 v44, v13  }
0xc8: {  	v11 =	vadd.bf16 v43, v48;
	v54 =	vld [tilespmem:s25+$0x6820];
	v14 =	vadd.bf16 v45, v14  }
0xc9: {  	v55 =	vld [tilespmem:s24+$0x6830];
	v9 =	vadd.bf16 v49, v9;
	v56 =	vadd.bf16 v50, v13  }
0xca: {  	v58 =	vld [tilespmem:s25+$0x6830];
	v57 =	vadd.bf16 v46, v15;
	v10 =	vadd.bf16 v51, v10  }
0xcb: {  	v14 =	vadd.bf16 v52, v14;
	v9 =	vadd.bf16 v56, v9  }
0xcc: {  	v59 =	vadd.bf16 v47, v16;
	v8 =	vadd.bf16 v53, v8  }
0xcd: {  	v13 =	vadd.bf16 v54, v57;
	v10 =	vadd.bf16 v14, v10;
	v60 =	vshll.u32 v9, $0x10  }
0xce: {  	v11 =	vadd.bf16 v55, v11;
	v9 =	vand.u32 $0xFFFF0000, v9;
	[tilespmem:s23+$0x0] =	vst v60  }
0xcf: {  	v12 =	vadd.bf16 v58, v59;
	v8 =	vadd.bf16 v13, v8;
	v61 =	vshll.u32 v10, $0x10;
	[tilespmem:s23+$0x10] =	vst v9  }
0xd0: {  	p0 =	sne.s32 s22, $0xFC0;
	v10 =	vand.u32 $0xFFFF0000, v10;
	[tilespmem:s23+$0x20] =	vst v61  }
.Ltmp6:
0xd1: {  	v62 =	vadd.bf16 v12, v11;
	v63 =	vshll.u32 v8, $0x10;
	[tilespmem:s23+$0x30] =	vst v10;
	(pc) =	sbr.rel @p0 .LBB2_6-.Ltmp6, $4  }
0xd2: {  	v8 =	vand.u32 $0xFFFF0000, v8;
	[tilespmem:s23+$0x40] =	vst v63  }
0xd3: {  	[tilespmem:s23+$0x50] =	vst v8;
	v8 =	vshll.u32 v62, $0x10  }
0xd4: {  	v9 =	vand.u32 $0xFFFF0000, v62;
	[tilespmem:s23+$0x60] =	vst v8  }
0xd5: {  	s22 =	sadd.s32 $0x40, s22;
	[tilespmem:s23+$0x70] =	vst v9;
	s23 =	sadd.s32 $0x100, s23  }
0xd6: {  	s21 =	sshll.u32 s21, $0x4  }
0xd7: {  	s21 =	sadd.s32 s2, s21  }
0xd8: {  	[hbm4b:s21+s3] =	stream.linear.scatter [tilespmem:s29], [sflag:$0x1], $0x4000, $0x38;
	[tilespmem:$0x1E800] =	vst v63  }
.LBB2_8:
0xd9: {  	s20 =	sor.u32 $0x1, s20  }
0xda: {  	p0 =	sge.u32 s20, s6  }
.Ltmp7:
0xdb: {  	_ = 	snop;
	(pc) =	sbr.rel @p0 .LBB2_14-.Ltmp7, $1  }
0xdc: {  	_ =	sdelay $0x3  }
0xdd: {  	p0 =	slt.s32 s0, s17  }
0xde: {  	s21 =	smov.u32 s17;
	p1 =	seq.s32 s19, $0x0;
	s20 =	sshll.u32 s20, $0x7  }
0xdf: {  	s24 =	smov.u32 s15;
	s21 =	smov.u32 @p0 s0;
	s23 =	simm.s32 @!p1 $0x2  }
0xe0: {  	p0 =	slt.s32 s20, s15;
	s21 =	sshll.u32 s21, $0x2;
	_ =	swait.ge @!p1 [sflag:s23], $0x4000  }
0xe1: {  	s24 =	smov.u32 @p0 s20;
	s25 =	sshra.s32 s21, $0x2;
	[sflag:s23] =	ssyncset.done @!p1 $0x0  }
0xe2: {  	s21 =	simm.s32 $0x0;
	s22 =	sadd.s32 $0x5780, s25;
	[sflag:s23] =	ssyncadd.s32 @!p1 $0xFFFFC000  }
0xe3: {  	s20 =	sadd.s32 s4, s24;
	s24 =	simm.s32 $0x80;
	v9 =	vor.u32 s21, v0;
	s23 =	simm.s32 $0x0;
	v8 =	vld [tilespmem:s22+$0xFFFFA880]  }
.LBB2_10:
0xe4: {  	p0 =	sne.s32 s24, $0x380;
	_ =	sdelay $0x3  }
0xe5: {  	[tilespmem:v9+s28+$0x0] =	vst.idx.msk $0xffff, v8  }
0xe6: {  	v9 =	vor.u32 s23, v1;
	v8 =	vld [tilespmem:s22+$0xFFFFB500];
	_ =	sdelay $0x4  }
0xe7: {  	[tilespmem:v9+s28+$0x0] =	vst.idx.msk $0xffff, v8  }
0xe8: {  	v9 =	vor.u32 s23, v2;
	v8 =	vld [tilespmem:s22+$0xFFFFC180];
	_ =	sdelay $0x4  }
0xe9: {  	[tilespmem:v9+s28+$0x0] =	vst.idx.msk $0xffff, v8  }
0xea: {  	v9 =	vor.u32 s23, v3;
	v8 =	vld [tilespmem:s22+$0xFFFFCE00];
	_ =	sdelay $0x4  }
0xeb: {  	[tilespmem:v9+s28+$0x0] =	vst.idx.msk $0xffff, v8  }
0xec: {  	v9 =	vor.u32 s23, v4;
	v8 =	vld [tilespmem:s22+$0xFFFFDA80];
	_ =	sdelay $0x4  }
0xed: {  	[tilespmem:v9+s28+$0x0] =	vst.idx.msk $0xffff, v8  }
0xee: {  	v9 =	vor.u32 s23, v5;
	v8 =	vld [tilespmem:s22+$0xFFFFE700];
	_ =	sdelay $0x4  }
0xef: {  	[tilespmem:v9+s28+$0x0] =	vst.idx.msk $0xffff, v8  }
0xf0: {  	v9 =	vor.u32 s23, v6;
	v8 =	vld [tilespmem:s22+$0xFFFFF380];
	_ =	sdelay $0x4  }
0xf1: {  	[tilespmem:v9+s28+$0x0] =	vst.idx.msk $0xffff, v8  }
0xf2: {  	v9 =	vor.u32 s23, v7;
	s23 =	smov.u32 s24;
	v8 =	vld [tilespmem:s22+$0x0];
	_ =	sdelay $0x1  }
.Ltmp8:
0xf3: {  	(pc) =	sbr.rel @p0 .LBB2_10-.Ltmp8, $3  }
0xf4: {  	_ =	sdelay $0x1  }
0xf5: {  	s22 =	sadd.s32 $0x10, s22;
	[tilespmem:v9+s28+$0x0] =	vst.idx.msk $0xffff, v8  }
0xf6: {  	s24 =	sadd.s32 $0x80, s24;
	v9 =	vor.u32 s23, v0;
	v8 =	vld [tilespmem:s22+$0xFFFFA880]  }
0xf7: {  	_ =	sdelay $0x3  }
0xf8: {  	[tilespmem:v9+s28+$0x0] =	vst.idx.msk $0xffff, v8  }
0xf9: {  	v57 =	vor.u32 s23, v1;
	v8 =	vld [tilespmem:s22+$0xFFFFB500];
	_ =	sdelay $0x4  }
0xfa: {  	[tilespmem:v57+s28+$0x0] =	vst.idx.msk $0xffff, v8  }
0xfb: {  	v58 =	vor.u32 s23, v2;
	v8 =	vld [tilespmem:s22+$0xFFFFC180];
	_ =	sdelay $0x4  }
0xfc: {  	[tilespmem:v58+s28+$0x0] =	vst.idx.msk $0xffff, v8  }
0xfd: {  	v59 =	vor.u32 s23, v3;
	v8 =	vld [tilespmem:s22+$0xFFFFCE00];
	_ =	sdelay $0x4  }
0xfe: {  	[tilespmem:v59+s28+$0x0] =	vst.idx.msk $0xffff, v8  }
0xff: {  	v60 =	vor.u32 s23, v4;
	v8 =	vld [tilespmem:s22+$0xFFFFDA80];
	_ =	sdelay $0x4  }
0x100: {  	[tilespmem:v60+s28+$0x0] =	vst.idx.msk $0xffff, v8  }
0x101: {  	v61 =	vor.u32 s23, v5;
	v8 =	vld [tilespmem:s22+$0xFFFFE700];
	_ =	sdelay $0x4  }
0x102: {  	[tilespmem:v61+s28+$0x0] =	vst.idx.msk $0xffff, v8  }
0x103: {  	v62 =	vor.u32 s23, v6;
	v8 =	vld [tilespmem:s22+$0xFFFFF380];
	_ =	sdelay $0x4  }
0x104: {  	[tilespmem:v62+s28+$0x0] =	vst.idx.msk $0xffff, v8  }
0x105: {  	v63 =	vor.u32 s23, v7;
	v8 =	vld [tilespmem:s22+$0x0];
	_ =	sdelay $0x4  }
0x106: {  	s22 =	simm.s32 $0x1A880;
	[tilespmem:v63+s28+$0x0] =	vst.idx.msk $0xffff, v8  }
.LBB2_12:
0x107: {  	s23 =	sshra.s32 s21, $0x2  }
0x108: {  	v8 =	vld [tilespmem:s23+$0x6400];
	_ =	sdelay $0x4  }
0x109: {  	v8 =	vand.u32 $0x3FF, v8  }
0x10a: {  	v8 =	vshll.u32 v8, $0x6  }
0x10b: {  	(v2sf) =	vpush v8, $0x0;
	_ =	sdelay $0x3  }
0x10c: {  	(v2sf) =	vpush v8, $0x1;
	_ =	sdelay $0x3  }
0x10d: {  	(v2sf) =	vpush v8, $0x2;
	_ =	sdelay $0x3  }
0x10e: {  	(v2sf) =	vpush v8, $0x3;
	_ =	sdelay $0x2  }
0x10f: {  	s25 =	spop (v2sf)  }
0x110: {  	(v2sf) =	vpush v8, $0x4;
	v9 =	vld [tilespmem:s25+$0x6800]  }
0x111: {  	v10 =	vld [tilespmem:s25+$0x6810]  }
0x112: {  	v11 =	vld [tilespmem:s25+$0x6820]  }
0x113: {  	v12 =	vld [tilespmem:s25+$0x6830];
	s24 =	spop (v2sf)  }
0x114: {  	(v2sf) =	vpush v8, $0x5;
	v13 =	vld [tilespmem:s24+$0x6800]  }
0x115: {  	v14 =	vld [tilespmem:s24+$0x6810]  }
0x116: {  	v15 =	vld [tilespmem:s24+$0x6820]  }
0x117: {  	v16 =	vld [tilespmem:s24+$0x6830];
	s25 =	spop (v2sf)  }
0x118: {  	(v2sf) =	vpush v8, $0x6;
	v17 =	vld [tilespmem:s25+$0x6800]  }
0x119: {  	v18 =	vld [tilespmem:s25+$0x6810];
	(v2sf) =	vpush v8, $0x7  }
0x11a: {  	v19 =	vld [tilespmem:s25+$0x6820]  }
0x11b: {  	v20 =	vld [tilespmem:s25+$0x6830];
	s24 =	spop (v2sf)  }
0x11c: {  	v21 =	vld [tilespmem:s24+$0x6800]  }
0x11d: {  	v22 =	vld [tilespmem:s24+$0x6810]  }
0x11e: {  	v23 =	vld [tilespmem:s24+$0x6820]  }
0x11f: {  	v24 =	vld [tilespmem:s24+$0x6830];
	s25 =	spop (v2sf)  }
0x120: {  	v25 =	vld [tilespmem:s25+$0x6800]  }
0x121: {  	v26 =	vld [tilespmem:s25+$0x6810]  }
0x122: {  	v27 =	vld [tilespmem:s25+$0x6820]  }
0x123: {  	v28 =	vld [tilespmem:s25+$0x6830];
	s24 =	spop (v2sf)  }
0x124: {  	v29 =	vld [tilespmem:s24+$0x6800]  }
0x125: {  	v30 =	vld [tilespmem:s24+$0x6810]  }
0x126: {  	v9 =	vadd.bf16 v17, v9;
	v10 =	vadd.bf16 v18, v10;
	v44 =	vld [tilespmem:s24+$0x6820]  }
0x127: {  	v11 =	vadd.bf16 v19, v11;
	v12 =	vadd.bf16 v20, v12;
	v45 =	vld [tilespmem:s24+$0x6830];
	s25 =	spop (v2sf)  }
0x128: {  	v13 =	vadd.bf16 v21, v13;
	v14 =	vadd.bf16 v22, v14;
	v46 =	vld [tilespmem:s25+$0x6800];
	s24 =	spop (v2sf)  }
0x129: {  	v15 =	vadd.bf16 v23, v15;
	(v2sf) =	vpush v8, $0x8;
	v47 =	vld [tilespmem:s24+$0x6800]  }
0x12a: {  	v16 =	vadd.bf16 v24, v16;
	(v2sf) =	vpush v8, $0x9;
	v48 =	vld [tilespmem:s25+$0x6810]  }
0x12b: {  	v49 =	vld [tilespmem:s24+$0x6810];
	v9 =	vadd.bf16 v25, v9;
	v10 =	vadd.bf16 v26, v10  }
0x12c: {  	v50 =	vld [tilespmem:s25+$0x6820];
	v11 =	vadd.bf16 v27, v11;
	v13 =	vadd.bf16 v29, v13  }
0x12d: {  	v51 =	vld [tilespmem:s24+$0x6820];
	v12 =	vadd.bf16 v28, v12;
	v14 =	vadd.bf16 v30, v14  }
0x12e: {  	v52 =	vld [tilespmem:s25+$0x6830];
	v9 =	vadd.bf16 v46, v9;
	v13 =	vadd.bf16 v47, v13  }
0x12f: {  	v53 =	vld [tilespmem:s24+$0x6830];
	v15 =	vadd.bf16 v44, v15;
	v10 =	vadd.bf16 v48, v10  }
0x130: {  	v14 =	vadd.bf16 v49, v14;
	v9 =	vadd.bf16 v13, v9  }
0x131: {  	v54 =	vadd.bf16 v45, v16;
	v11 =	vadd.bf16 v50, v11  }
0x132: {  	v15 =	vadd.bf16 v51, v15;
	v10 =	vadd.bf16 v14, v10;
	v55 =	vshll.u32 v9, $0x10  }
0x133: {  	(v2sf) =	vpush v8, $0xA;
	v12 =	vadd.bf16 v52, v12;
	v9 =	vand.u32 $0xFFFF0000, v9;
	[tilespmem:s22+$0xFFFFFF80] =	vst v55  }
0x134: {  	v13 =	vadd.bf16 v53, v54;
	v11 =	vadd.bf16 v15, v11;
	v56 =	vshll.u32 v10, $0x10;
	[tilespmem:s22+$0xFFFFFF90] =	vst v9  }
0x135: {  	v10 =	vand.u32 $0xFFFF0000, v10;
	[tilespmem:s22+$0xFFFFFFA0] =	vst v56  }
0x136: {  	v57 =	vadd.bf16 v13, v12;
	v58 =	vshll.u32 v11, $0x10;
	[tilespmem:s22+$0xFFFFFFB0] =	vst v10  }
0x137: {  	(v2sf) =	vpush v8, $0xB;
	v11 =	vand.u32 $0xFFFF0000, v11;
	[tilespmem:s22+$0xFFFFFFC0] =	vst v58  }
0x138: {  	[tilespmem:s22+$0xFFFFFFD0] =	vst v11;
	v59 =	vshll.u32 v57, $0x10  }
0x139: {  	v9 =	vand.u32 $0xFFFF0000, v57;
	[tilespmem:s22+$0xFFFFFFE0] =	vst v59  }
0x13a: {  	[tilespmem:s22+$0xFFFFFFF0] =	vst v9;
	s24 =	spop (v2sf)  }
0x13b: {  	(v2sf) =	vpush v8, $0xC;
	v9 =	vld [tilespmem:s24+$0x6800]  }
0x13c: {  	v10 =	vld [tilespmem:s24+$0x6810]  }
0x13d: {  	v11 =	vld [tilespmem:s24+$0x6820]  }
0x13e: {  	v60 =	vld [tilespmem:s24+$0x6830];
	s25 =	spop (v2sf)  }
0x13f: {  	(v2sf) =	vpush v8, $0xD;
	v61 =	vld [tilespmem:s25+$0x6800]  }
0x140: {  	v14 =	vld [tilespmem:s25+$0x6810]  }
0x141: {  	v62 =	vld [tilespmem:s25+$0x6820]  }
0x142: {  	v63 =	vld [tilespmem:s25+$0x6830];
	s24 =	spop (v2sf)  }
0x143: {  	(v2sf) =	vpush v8, $0xE;
	v33 =	vld [tilespmem:s24+$0x6800]  }
0x144: {  	(v2sf) =	vpush v8, $0xF;
	v34 =	vld [tilespmem:s24+$0x6810]  }
0x145: {  	v8 =	vld [tilespmem:s24+$0x6820]  }
0x146: {  	s25 =	spop (v2sf);
	v35 =	vld [tilespmem:s24+$0x6830]  }
0x147: {  	v36 =	vld [tilespmem:s25+$0x6800]  }
0x148: {  	v37 =	vld [tilespmem:s25+$0x6810]  }
0x149: {  	v38 =	vld [tilespmem:s25+$0x6820]  }
0x14a: {  	s23 =	spop (v2sf);
	v39 =	vld [tilespmem:s25+$0x6830]  }
0x14b: {  	v40 =	vld [tilespmem:s23+$0x6800]  }
0x14c: {  	v41 =	vld [tilespmem:s23+$0x6810]  }
0x14d: {  	v42 =	vld [tilespmem:s23+$0x6820]  }
0x14e: {  	v43 =	vld [tilespmem:s23+$0x6830];
	s25 =	spop (v2sf)  }
0x14f: {  	v44 =	vld [tilespmem:s25+$0x6800]  }
0x150: {  	v45 =	vld [tilespmem:s25+$0x6810]  }
0x151: {  	v46 =	vld [tilespmem:s25+$0x6820]  }
0x152: {  	v9 =	vadd.bf16 v33, v9;
	v10 =	vadd.bf16 v34, v10;
	s23 =	spop (v2sf);
	v47 =	vld [tilespmem:s25+$0x6830]  }
0x153: {  	v8 =	vadd.bf16 v8, v11;
	v48 =	vadd.bf16 v35, v60;
	v49 =	vld [tilespmem:s23+$0x6800];
	s25 =	spop (v2sf)  }
0x154: {  	v13 =	vadd.bf16 v36, v61;
	v14 =	vadd.bf16 v37, v14;
	v50 =	vld [tilespmem:s25+$0x6800]  }
0x155: {  	v15 =	vadd.bf16 v38, v62;
	v16 =	vadd.bf16 v39, v63;
	v51 =	vld [tilespmem:s23+$0x6810]  }
0x156: {  	v9 =	vadd.bf16 v40, v9;
	v10 =	vadd.bf16 v41, v10;
	v52 =	vld [tilespmem:s25+$0x6810]  }
0x157: {  	v8 =	vadd.bf16 v42, v8;
	v53 =	vld [tilespmem:s23+$0x6820];
	v13 =	vadd.bf16 v44, v13  }
0x158: {  	v11 =	vadd.bf16 v43, v48;
	v54 =	vld [tilespmem:s25+$0x6820];
	v14 =	vadd.bf16 v45, v14  }
0x159: {  	v55 =	vld [tilespmem:s23+$0x6830];
	v9 =	vadd.bf16 v49, v9;
	v56 =	vadd.bf16 v50, v13  }
0x15a: {  	v58 =	vld [tilespmem:s25+$0x6830];
	v57 =	vadd.bf16 v46, v15;
	v10 =	vadd.bf16 v51, v10  }
0x15b: {  	v14 =	vadd.bf16 v52, v14;
	v9 =	vadd.bf16 v56, v9  }
0x15c: {  	v59 =	vadd.bf16 v47, v16;
	v8 =	vadd.bf16 v53, v8  }
0x15d: {  	v13 =	vadd.bf16 v54, v57;
	v10 =	vadd.bf16 v14, v10;
	v60 =	vshll.u32 v9, $0x10  }
0x15e: {  	v11 =	vadd.bf16 v55, v11;
	v9 =	vand.u32 $0xFFFF0000, v9;
	[tilespmem:s22+$0x0] =	vst v60  }
0x15f: {  	v12 =	vadd.bf16 v58, v59;
	v8 =	vadd.bf16 v13, v8;
	v61 =	vshll.u32 v10, $0x10;
	[tilespmem:s22+$0x10] =	vst v9  }
0x160: {  	p0 =	sne.s32 s21, $0xFC0;
	v10 =	vand.u32 $0xFFFF0000, v10;
	[tilespmem:s22+$0x20] =	vst v61  }
.Ltmp9:
0x161: {  	v62 =	vadd.bf16 v12, v11;
	v63 =	vshll.u32 v8, $0x10;
	[tilespmem:s22+$0x30] =	vst v10;
	(pc) =	sbr.rel @p0 .LBB2_12-.Ltmp9, $4  }
0x162: {  	v8 =	vand.u32 $0xFFFF0000, v8;
	[tilespmem:s22+$0x40] =	vst v63  }
0x163: {  	[tilespmem:s22+$0x50] =	vst v8;
	v8 =	vshll.u32 v62, $0x10  }
0x164: {  	v9 =	vand.u32 $0xFFFF0000, v62;
	[tilespmem:s22+$0x60] =	vst v8  }
0x165: {  	s21 =	sadd.s32 $0x40, s21;
	[tilespmem:s22+$0x70] =	vst v9;
	s22 =	sadd.s32 $0x100, s22  }
.Ltmp10:
0x166: {  	(pc) =	sbr.rel .LBB2_14-.Ltmp10, $4  }
0x167: {  	_ = 	snop  }
0x168: {  	s20 =	sshll.u32 s20, $0x4  }
0x169: {  	s20 =	sadd.s32 s2, s20  }
0x16a: {  	[hbm4b:s20+s3] =	stream.linear.scatter [tilespmem:s30], [sflag:$0x2], $0x4000, $0x38;
	[tilespmem:$0x1E800] =	vst v63  }
.LBB2_16:
0x16b: {  	_ =	sfence.sel $0x180000  }
0x16c: {  	[bflag:$0x0] =	sbarrier.arrive $0xFFFF  }
0x16d: {  	_ =	strace $0x90000047  }
0x16e: {  	s0 =	stileid.u32;
	[bflag:$0x2] =	sbarrier.arrive $0xFFFF  }
0x16f: {  	p0 =	sne.s32 s0, $0x0;
	s0 =	rddreg [dreg:$0x2]  }
0x170: {  	s0 =	sadd.s32 @!p0 $0x100000, s0  }
0x171: {  	[sflag:s0] =	ssyncadd.tile.s32 @!p0 $0x1;
	_ =	shalt  }
.Lfunc_end2:
_tile_overlayer_lowered:
.L_overlay_start_2:
0x172: {  	(tag) =	ssettag $0x2  }
0x173: {  	s0 =	rddreg [dreg:$0x0];
	s2 =	stileid.u32  }
0x174: {  	s1 =	rddreg [dreg:$0x1];
	p0 =	sne.s32 s2, $0x0  }
0x175: {  	s3 =	rddreg [dreg:$0x2];
	[bflag:$0x3] =	sbarrier.arrive $0xFFFF;
	s2 =	simm.s32 @!p0 $0x1C03  }
0x176: {  	[timem:s3], [sflag:s2] =	dma.local @!p0 [hbm:s0], s1  }
0x177: {  	s0 =	simm.s32 @!p0 $0x3  }
0x178: {  	_ =	swait.ge @!p0 [sflag:s0], s1  }
0x179: {  	s1 =	ssub.s32 @!p0 $0x0, s1;
	[sflag:s0] =	ssyncset.done @!p0 $0x0  }
0x17a: {  	[sflag:s0] =	ssyncadd.s32 @!p0 s1  }
0x17b: {  	[bflag:$0x3] =	sbarrier.arrive $0xFFFF  }
0x17c: {  	_ =	shalt  }

</sc_bundles>
